<compile_context>
chip_gen: v7x
topology: tpu7x:2x2x1
jax: 0.10.2.dev20260603
libtpu: 0.0.44.dev20260713+nightly
codegen_flags: <defaults>
</compile_context>

<pallas_src>
import functools

import jax
import jax.numpy as jnp
from jax import lax
from jax.experimental import pallas as pl
from jax.experimental.pallas import tpu as pltpu
from jax.experimental.pallas import tpu_sc as plsc

VOCAB = 100000
D_MODEL = 64
MAX_SEQ = 200
BATCH = 4096

_NC = 2
_NS = 16
_L = 16
_NW = _NC * _NS

_CPW = BATCH // _NW
_NBUF = 4
_QUADS = _CPW // _NBUF
_SPLITS = (0, 104, MAX_SEQ)


def _pe_table():
    even_i = jnp.arange(0, D_MODEL, 2).astype(jnp.float32)
    denominator = jnp.power(10000.0, even_i / D_MODEL)
    position = jnp.arange(MAX_SEQ).reshape(MAX_SEQ, 1).astype(jnp.float32)
    even_pe = jnp.sin(position / denominator)
    odd_pe = jnp.cos(position / denominator)
    return jnp.stack([even_pe, odd_pe], axis=2).reshape(MAX_SEQ, D_MODEL)


def kernel(x, embedding):
    pe = _pe_table()

    mesh = plsc.VectorSubcoreMesh(core_axis_name="c", subcore_axis_name="s")

    @functools.partial(
        pl.kernel,
        mesh=mesh,
        out_type=jax.ShapeDtypeStruct((BATCH, MAX_SEQ, 128), jnp.float32),
        compiler_params=pltpu.CompilerParams(use_tc_tiling_on_sc=False),
        scratch_types=[
            pltpu.VMEM((_NBUF, MAX_SEQ), jnp.int32),
            *[pltpu.VMEM((MAX_SEQ, D_MODEL), jnp.float32)
              for _ in range(_NBUF)],
            pltpu.VMEM((MAX_SEQ, D_MODEL), jnp.float32),
            pltpu.SemaphoreType.DMA,
            pltpu.SemaphoreType.DMA,
        ],
    )
    def sc_kernel(x_hbm, emb_hbm, pe_hbm, out_hbm,
                  idx_v, b0, b1, b2, b3, pe_v, sem_g, sem_w):
        bufs = (b0, b1, b2, b3)
        wid = lax.axis_index("s") * _NC + lax.axis_index("c")
        pltpu.sync_copy(pe_hbm, pe_v)

        def drain_write(k):
            pltpu.make_async_copy(
                bufs[k], out_hbm.at[k, :, pl.ds(0, D_MODEL)], sem_w
            ).wait()

        def fire_gathers(k):
            return [
                pltpu.async_copy(
                    emb_hbm.at[idx_v.at[k, pl.ds(lo, hi - lo)]],
                    bufs[k].at[pl.ds(lo, hi - lo)],
                    sem_g,
                )
                for lo, hi in zip(_SPLITS[:-1], _SPLITS[1:])
            ]

        def add_pe(k):
            def add_body(r, c2):
                for j in range(D_MODEL // _L):
                    s = pl.ds(j * _L, _L)
                    bufs[k][r, s] = bufs[k][r, s] + pe_v[r, s]
                return c2

            lax.fori_loop(0, MAX_SEQ, add_body, 0)

        def fire_write(k, chunk):
            pltpu.async_copy(
                bufs[k], out_hbm.at[chunk, :, pl.ds(0, D_MODEL)], sem_w
            )

        for k in range(_NBUF):
            fire_write(k, wid * _CPW + k)

        def quad_body(q, carry):
            base = wid * _CPW + q * _NBUF
            for k in range(_NBUF):
                drain_write(k)
            pltpu.sync_copy(x_hbm.at[pl.ds(base, _NBUF)], idx_v)
            g = [fire_gathers(k) for k in range(_NBUF)]
            for k in range(_NBUF):
                for cpy in g[k]:
                    cpy.wait()
                add_pe(k)
                fire_write(k, base + k)
            return carry

        lax.fori_loop(0, _QUADS, quad_body, 0)
        for k in range(_NBUF):
            drain_write(k)

    out = sc_kernel(x, embedding, pe)
    return out[:, :, :D_MODEL]

# --- scband reference (transcript-rebuilt; emitter-appended) ---
"""Pipeline reference for scband-snippet-embedding-30666066494124 (READ-ONLY COPY).

The authoritative reference and input builder live on the scoring server;
editing this copy changes nothing except your own understanding.
"""

import jax, jax.numpy as jnp
import numpy as np

VOCAB = 100000
D_MODEL = 64
MAX_SEQ = 200
BATCH = 4096


def positional_encoding(d_model, max_sequence_length):
    # Faithful translation of PositionalEncoding.forward
    even_i = jnp.arange(0, d_model, 2).astype(jnp.float32)
    denominator = jnp.power(10000.0, even_i / d_model)
    position = jnp.arange(max_sequence_length).reshape(max_sequence_length, 1).astype(jnp.float32)
    even_PE = jnp.sin(position / denominator)
    odd_PE = jnp.cos(position / denominator)
    stacked = jnp.stack([even_PE, odd_PE], axis=2)
    PE = stacked.reshape(max_sequence_length, d_model)
    return PE


def setup_inputs(seed: int = 0) -> dict:
    key = jax.random.key(seed)
    k_idx, k_emb = jax.random.split(key)
    x = jax.random.randint(k_idx, (BATCH, MAX_SEQ), 0, VOCAB, dtype=jnp.int64 if jax.config.jax_enable_x64 else jnp.int32)
    embedding = jax.random.normal(k_emb, (VOCAB, D_MODEL), dtype=jnp.float32) * 0.02
    return {"x": x, "embedding": embedding}


def reference(x, embedding):
    # SnippetEmbedding.forward with pre-tokenized token ids:
    #   x = self.embedding(x); x = dropout(x + pos)  [dropout identity at eval]
    # (structural_encoder() is called without its required graph arg in the
    #  original code and is therefore omitted; see notes.)
    emb = jnp.take(embedding, x, axis=0)  # gather: [B, L, D]
    pos = positional_encoding(D_MODEL, MAX_SEQ)  # [L, D]
    out = emb + pos[None, :, :]
    # nn.Dropout(p=0.1) is identity in eval mode
    return out

if __name__ == "__main__":
    import jax
    _d = setup_inputs()
    print(jax.jit(kernel)(*tuple(_d.values())))

</pallas_src>

<mosaic_0001>
#map = affine_map<(d0, d1) -> (0, 0)>
#map1 = affine_map<(d0, d1) -> (0, 0, 0)>
module attributes {stable_mosaic.version = 14 : i64} {
  func.func @sc_kernel(%arg0: i32, %arg1: i32, %arg2: memref<4096x200xi32, #tpu.memory_space<hbm>>, %arg3: memref<100000x64xf32, #tpu.memory_space<hbm>>, %arg4: memref<200x64xf32, #tpu.memory_space<hbm>>, %arg5: memref<4096x200x128xf32, #tpu.memory_space<hbm>>, %arg6: memref<4x200xi32, #tpu.memory_space<vmem>>, %arg7: memref<200x64xf32, #tpu.memory_space<vmem>>, %arg8: memref<200x64xf32, #tpu.memory_space<vmem>>, %arg9: memref<200x64xf32, #tpu.memory_space<vmem>>, %arg10: memref<200x64xf32, #tpu.memory_space<vmem>>, %arg11: memref<200x64xf32, #tpu.memory_space<vmem>>, %arg12: memref<!tpu.dma_semaphore, #tpu.memory_space<semaphore_mem>>, %arg13: memref<!tpu.dma_semaphore, #tpu.memory_space<semaphore_mem>>) attributes {dimension_semantics = [#tpu.dimension_semantics<core_parallel>, #tpu.dimension_semantics<subcore_parallel>], iteration_bounds = array<i64: 2, 16>, scalar_prefetch = 0 : i64, scratch_operands = 8 : i64, tpu.core_type = #tpu.core_type<sc_vector_subcore>, window_params = [{transform_indices = #map}, {transform_indices = #map}, {transform_indices = #map}, {transform_indices = #map1}]} {
    %mul3A = arith.constant 2 : i32
    %mul3A_0 = arith.muli %arg1, %mul3A : i32
    %add3A = arith.addi %mul3A_0, %arg0 : i32
    "tpu.region"() ({
      %run_scoped3A = tpu.sem_alloc : memref<!tpu.dma_semaphore, #tpu.memory_space<semaphore_mem>>
      tpu.enqueue_dma source(%arg4 : memref<200x64xf32, #tpu.memory_space<hbm>>) target(%arg11 : memref<200x64xf32, #tpu.memory_space<vmem>>) target_semaphore(%run_scoped3A : memref<!tpu.dma_semaphore, #tpu.memory_space<semaphore_mem>>)
      tpu.wait_dma2 semaphore(%run_scoped3A : memref<!tpu.dma_semaphore, #tpu.memory_space<semaphore_mem>>) src(%arg4 : memref<200x64xf32, #tpu.memory_space<hbm>>) dst(%arg11 : memref<200x64xf32, #tpu.memory_space<vmem>>)
      tpu.yield
    }) : () -> ()
    %mul3A_1 = arith.constant 128 : i32
    %mul3A_2 = arith.muli %add3A, %mul3A_1 : i32
    %add3A_3 = arith.constant 0 : i32
    %add3A_4 = arith.addi %mul3A_2, %add3A_3 : i32
    %dma_start3A = arith.constant 0 : i32
    %dma_start3A_5 = arith.constant 0 : i32
    %dma_start3A_6 = tpu.memref_slice %arg5[%add3A_4, %dma_start3A, %dma_start3A_5] : memref<4096x200x128xf32, #tpu.memory_space<hbm>> -> memref<1x200x64xf32, #tpu.memory_space<hbm>>
    %dma_start3A_7 = tpu.memref_squeeze %dma_start3A_6 : memref<1x200x64xf32, #tpu.memory_space<hbm>> -> memref<200x64xf32, #tpu.memory_space<hbm>>
    %dma_start3A_8 = arith.constant 0 : i32
    %dma_start3A_9 = arith.constant 0 : i32
    %dma_start3A_10 = tpu.memref_slice %arg5[%add3A_4, %dma_start3A_8, %dma_start3A_9] : memref<4096x200x128xf32, #tpu.memory_space<hbm>> -> memref<1x200x64xf32, #tpu.memory_space<hbm>>
    %dma_start3A_11 = tpu.memref_squeeze %dma_start3A_10 : memref<1x200x64xf32, #tpu.memory_space<hbm>> -> memref<200x64xf32, #tpu.memory_space<hbm>>
    tpu.enqueue_dma source(%arg7 : memref<200x64xf32, #tpu.memory_space<vmem>>) target(%dma_start3A_11 : memref<200x64xf32, #tpu.memory_space<hbm>>) target_semaphore(%arg13 : memref<!tpu.dma_semaphore, #tpu.memory_space<semaphore_mem>>)
    %mul3A_12 = arith.constant 128 : i32
    %mul3A_13 = arith.muli %add3A, %mul3A_12 : i32
    %add3A_14 = arith.constant 1 : i32
    %add3A_15 = arith.addi %mul3A_13, %add3A_14 : i32
    %dma_start3A_16 = arith.constant 0 : i32
    %dma_start3A_17 = arith.constant 0 : i32
    %dma_start3A_18 = tpu.memref_slice %arg5[%add3A_15, %dma_start3A_16, %dma_start3A_17] : memref<4096x200x128xf32, #tpu.memory_space<hbm>> -> memref<1x200x64xf32, #tpu.memory_space<hbm>>
    %dma_start3A_19 = tpu.memref_squeeze %dma_start3A_18 : memref<1x200x64xf32, #tpu.memory_space<hbm>> -> memref<200x64xf32, #tpu.memory_space<hbm>>
    %dma_start3A_20 = arith.constant 0 : i32
    %dma_start3A_21 = arith.constant 0 : i32
    %dma_start3A_22 = tpu.memref_slice %arg5[%add3A_15, %dma_start3A_20, %dma_start3A_21] : memref<4096x200x128xf32, #tpu.memory_space<hbm>> -> memref<1x200x64xf32, #tpu.memory_space<hbm>>
    %dma_start3A_23 = tpu.memref_squeeze %dma_start3A_22 : memref<1x200x64xf32, #tpu.memory_space<hbm>> -> memref<200x64xf32, #tpu.memory_space<hbm>>
    tpu.enqueue_dma source(%arg8 : memref<200x64xf32, #tpu.memory_space<vmem>>) target(%dma_start3A_23 : memref<200x64xf32, #tpu.memory_space<hbm>>) target_semaphore(%arg13 : memref<!tpu.dma_semaphore, #tpu.memory_space<semaphore_mem>>)
    %mul3A_24 = arith.constant 128 : i32
    %mul3A_25 = arith.muli %add3A, %mul3A_24 : i32
    %add3A_26 = arith.constant 2 : i32
    %add3A_27 = arith.addi %mul3A_25, %add3A_26 : i32
    %dma_start3A_28 = arith.constant 0 : i32
    %dma_start3A_29 = arith.constant 0 : i32
    %dma_start3A_30 = tpu.memref_slice %arg5[%add3A_27, %dma_start3A_28, %dma_start3A_29] : memref<4096x200x128xf32, #tpu.memory_space<hbm>> -> memref<1x200x64xf32, #tpu.memory_space<hbm>>
    %dma_start3A_31 = tpu.memref_squeeze %dma_start3A_30 : memref<1x200x64xf32, #tpu.memory_space<hbm>> -> memref<200x64xf32, #tpu.memory_space<hbm>>
    %dma_start3A_32 = arith.constant 0 : i32
    %dma_start3A_33 = arith.constant 0 : i32
    %dma_start3A_34 = tpu.memref_slice %arg5[%add3A_27, %dma_start3A_32, %dma_start3A_33] : memref<4096x200x128xf32, #tpu.memory_space<hbm>> -> memref<1x200x64xf32, #tpu.memory_space<hbm>>
    %dma_start3A_35 = tpu.memref_squeeze %dma_start3A_34 : memref<1x200x64xf32, #tpu.memory_space<hbm>> -> memref<200x64xf32, #tpu.memory_space<hbm>>
    tpu.enqueue_dma source(%arg9 : memref<200x64xf32, #tpu.memory_space<vmem>>) target(%dma_start3A_35 : memref<200x64xf32, #tpu.memory_space<hbm>>) target_semaphore(%arg13 : memref<!tpu.dma_semaphore, #tpu.memory_space<semaphore_mem>>)
    %mul3A_36 = arith.constant 128 : i32
    %mul3A_37 = arith.muli %add3A, %mul3A_36 : i32
    %add3A_38 = arith.constant 3 : i32
    %add3A_39 = arith.addi %mul3A_37, %add3A_38 : i32
    %dma_start3A_40 = arith.constant 0 : i32
    %dma_start3A_41 = arith.constant 0 : i32
    %dma_start3A_42 = tpu.memref_slice %arg5[%add3A_39, %dma_start3A_40, %dma_start3A_41] : memref<4096x200x128xf32, #tpu.memory_space<hbm>> -> memref<1x200x64xf32, #tpu.memory_space<hbm>>
    %dma_start3A_43 = tpu.memref_squeeze %dma_start3A_42 : memref<1x200x64xf32, #tpu.memory_space<hbm>> -> memref<200x64xf32, #tpu.memory_space<hbm>>
    %dma_start3A_44 = arith.constant 0 : i32
    %dma_start3A_45 = arith.constant 0 : i32
    %dma_start3A_46 = tpu.memref_slice %arg5[%add3A_39, %dma_start3A_44, %dma_start3A_45] : memref<4096x200x128xf32, #tpu.memory_space<hbm>> -> memref<1x200x64xf32, #tpu.memory_space<hbm>>
    %dma_start3A_47 = tpu.memref_squeeze %dma_start3A_46 : memref<1x200x64xf32, #tpu.memory_space<hbm>> -> memref<200x64xf32, #tpu.memory_space<hbm>>
    tpu.enqueue_dma source(%arg10 : memref<200x64xf32, #tpu.memory_space<vmem>>) target(%dma_start3A_47 : memref<200x64xf32, #tpu.memory_space<hbm>>) target_semaphore(%arg13 : memref<!tpu.dma_semaphore, #tpu.memory_space<semaphore_mem>>)
    %scan3A = arith.constant 0 : i32
    %scan3A_48 = arith.constant 0 : i32
    %scan3A_49 = arith.constant 32 : i32
    %scan3A_50 = arith.addi %scan3A_48, %scan3A_49 : i32
    %scan3A_51 = arith.constant 1 : i32
    scf.for %scan3A_88 = %scan3A_48 to %scan3A_50 step %scan3A_51  : i32 {
      %mul3A_89 = arith.constant 128 : i32
      %mul3A_90 = arith.muli %add3A, %mul3A_89 : i32
      %mul3A_91 = arith.constant 4 : i32
      %mul3A_92 = arith.muli %scan3A_88, %mul3A_91 : i32
      %add3A_93 = arith.addi %mul3A_90, %mul3A_92 : i32
      %dma_wait3A_94 = arith.constant 0 : i32
      %dma_wait3A_95 = arith.constant 0 : i32
      %dma_wait3A_96 = arith.constant 0 : i32
      %dma_wait3A_97 = tpu.memref_slice %arg5[%dma_wait3A_94, %dma_wait3A_95, %dma_wait3A_96] : memref<4096x200x128xf32, #tpu.memory_space<hbm>> -> memref<1x200x64xf32, #tpu.memory_space<hbm>>
      %dma_wait3A_98 = tpu.memref_squeeze %dma_wait3A_97 : memref<1x200x64xf32, #tpu.memory_space<hbm>> -> memref<200x64xf32, #tpu.memory_space<hbm>>
      %dma_wait3A_99 = arith.constant 0 : i32
      %dma_wait3A_100 = arith.constant 0 : i32
      %dma_wait3A_101 = tpu.memref_slice %arg5[%dma_wait3A_94, %dma_wait3A_99, %dma_wait3A_100] : memref<4096x200x128xf32, #tpu.memory_space<hbm>> -> memref<1x200x64xf32, #tpu.memory_space<hbm>>
      %dma_wait3A_102 = tpu.memref_squeeze %dma_wait3A_101 : memref<1x200x64xf32, #tpu.memory_space<hbm>> -> memref<200x64xf32, #tpu.memory_space<hbm>>
      tpu.wait_dma2 semaphore(%arg13 : memref<!tpu.dma_semaphore, #tpu.memory_space<semaphore_mem>>) src(%arg7 : memref<200x64xf32, #tpu.memory_space<vmem>>) dst(%dma_wait3A_102 : memref<200x64xf32, #tpu.memory_space<hbm>>)
      %dma_wait3A_103 = arith.constant 1 : i32
      %dma_wait3A_104 = arith.constant 0 : i32
      %dma_wait3A_105 = arith.constant 0 : i32
      %dma_wait3A_106 = tpu.memref_slice %arg5[%dma_wait3A_103, %dma_wait3A_104, %dma_wait3A_105] : memref<4096x200x128xf32, #tpu.memory_space<hbm>> -> memref<1x200x64xf32, #tpu.memory_space<hbm>>
      %dma_wait3A_107 = tpu.memref_squeeze %dma_wait3A_106 : memref<1x200x64xf32, #tpu.memory_space<hbm>> -> memref<200x64xf32, #tpu.memory_space<hbm>>
      %dma_wait3A_108 = arith.constant 0 : i32
      %dma_wait3A_109 = arith.constant 0 : i32
      %dma_wait3A_110 = tpu.memref_slice %arg5[%dma_wait3A_103, %dma_wait3A_108, %dma_wait3A_109] : memref<4096x200x128xf32, #tpu.memory_space<hbm>> -> memref<1x200x64xf32, #tpu.memory_space<hbm>>
      %dma_wait3A_111 = tpu.memref_squeeze %dma_wait3A_110 : memref<1x200x64xf32, #tpu.memory_space<hbm>> -> memref<200x64xf32, #tpu.memory_space<hbm>>
      tpu.wait_dma2 semaphore(%arg13 : memref<!tpu.dma_semaphore, #tpu.memory_space<semaphore_mem>>) src(%arg8 : memref<200x64xf32, #tpu.memory_space<vmem>>) dst(%dma_wait3A_111 : memref<200x64xf32, #tpu.memory_space<hbm>>)
      %dma_wait3A_112 = arith.constant 2 : i32
      %dma_wait3A_113 = arith.constant 0 : i32
      %dma_wait3A_114 = arith.constant 0 : i32
      %dma_wait3A_115 = tpu.memref_slice %arg5[%dma_wait3A_112, %dma_wait3A_113, %dma_wait3A_114] : memref<4096x200x128xf32, #tpu.memory_space<hbm>> -> memref<1x200x64xf32, #tpu.memory_space<hbm>>
      %dma_wait3A_116 = tpu.memref_squeeze %dma_wait3A_115 : memref<1x200x64xf32, #tpu.memory_space<hbm>> -> memref<200x64xf32, #tpu.memory_space<hbm>>
      %dma_wait3A_117 = arith.constant 0 : i32
      %dma_wait3A_118 = arith.constant 0 : i32
      %dma_wait3A_119 = tpu.memref_slice %arg5[%dma_wait3A_112, %dma_wait3A_117, %dma_wait3A_118] : memref<4096x200x128xf32, #tpu.memory_space<hbm>> -> memref<1x200x64xf32, #tpu.memory_space<hbm>>
      %dma_wait3A_120 = tpu.memref_squeeze %dma_wait3A_119 : memref<1x200x64xf32, #tpu.memory_space<hbm>> -> memref<200x64xf32, #tpu.memory_space<hbm>>
      tpu.wait_dma2 semaphore(%arg13 : memref<!tpu.dma_semaphore, #tpu.memory_space<semaphore_mem>>) src(%arg9 : memref<200x64xf32, #tpu.memory_space<vmem>>) dst(%dma_wait3A_120 : memref<200x64xf32, #tpu.memory_space<hbm>>)
      %dma_wait3A_121 = arith.constant 3 : i32
      %dma_wait3A_122 = arith.constant 0 : i32
      %dma_wait3A_123 = arith.constant 0 : i32
      %dma_wait3A_124 = tpu.memref_slice %arg5[%dma_wait3A_121, %dma_wait3A_122, %dma_wait3A_123] : memref<4096x200x128xf32, #tpu.memory_space<hbm>> -> memref<1x200x64xf32, #tpu.memory_space<hbm>>
      %dma_wait3A_125 = tpu.memref_squeeze %dma_wait3A_124 : memref<1x200x64xf32, #tpu.memory_space<hbm>> -> memref<200x64xf32, #tpu.memory_space<hbm>>
      %dma_wait3A_126 = arith.constant 0 : i32
      %dma_wait3A_127 = arith.constant 0 : i32
      %dma_wait3A_128 = tpu.memref_slice %arg5[%dma_wait3A_121, %dma_wait3A_126, %dma_wait3A_127] : memref<4096x200x128xf32, #tpu.memory_space<hbm>> -> memref<1x200x64xf32, #tpu.memory_space<hbm>>
      %dma_wait3A_129 = tpu.memref_squeeze %dma_wait3A_128 : memref<1x200x64xf32, #tpu.memory_space<hbm>> -> memref<200x64xf32, #tpu.memory_space<hbm>>
      tpu.wait_dma2 semaphore(%arg13 : memref<!tpu.dma_semaphore, #tpu.memory_space<semaphore_mem>>) src(%arg10 : memref<200x64xf32, #tpu.memory_space<vmem>>) dst(%dma_wait3A_129 : memref<200x64xf32, #tpu.memory_space<hbm>>)
      "tpu.region"() ({
        %run_scoped3A = tpu.sem_alloc : memref<!tpu.dma_semaphore, #tpu.memory_space<semaphore_mem>>
        %dma_start3A_354 = arith.constant 0 : i32
        %dma_start3A_355 = tpu.memref_slice %arg2[%add3A_93, %dma_start3A_354] : memref<4096x200xi32, #tpu.memory_space<hbm>> -> memref<4x200xi32, #tpu.memory_space<hbm>>
        %dma_start3A_356 = arith.constant 0 : i32
        %dma_start3A_357 = tpu.memref_slice %arg2[%add3A_93, %dma_start3A_356] : memref<4096x200xi32, #tpu.memory_space<hbm>> -> memref<4x200xi32, #tpu.memory_space<hbm>>
        tpu.enqueue_dma source(%dma_start3A_357 : memref<4x200xi32, #tpu.memory_space<hbm>>) target(%arg6 : memref<4x200xi32, #tpu.memory_space<vmem>>) target_semaphore(%run_scoped3A : memref<!tpu.dma_semaphore, #tpu.memory_space<semaphore_mem>>)
        %dma_wait3A_358 = arith.constant 0 : i32
        %dma_wait3A_359 = tpu.memref_slice %arg2[%add3A_93, %dma_wait3A_358] : memref<4096x200xi32, #tpu.memory_space<hbm>> -> memref<4x200xi32, #tpu.memory_space<hbm>>
        %dma_wait3A_360 = arith.constant 0 : i32
        %dma_wait3A_361 = tpu.memref_slice %arg2[%add3A_93, %dma_wait3A_360] : memref<4096x200xi32, #tpu.memory_space<hbm>> -> memref<4x200xi32, #tpu.memory_space<hbm>>
        tpu.wait_dma2 semaphore(%run_scoped3A : memref<!tpu.dma_semaphore, #tpu.memory_space<semaphore_mem>>) src(%dma_wait3A_361 : memref<4x200xi32, #tpu.memory_space<hbm>>) dst(%arg6 : memref<4x200xi32, #tpu.memory_space<vmem>>)
        tpu.yield
      }) : () -> ()
      %dma_start3A_130 = arith.constant 0 : i32
      %dma_start3A_131 = arith.constant 0 : i32
      %dma_start3A_132 = arith.constant 0 : i32
      %dma_start3A_133 = tpu.memref_slice %arg7[%dma_start3A_131, %dma_start3A_132] : memref<200x64xf32, #tpu.memory_space<vmem>> -> memref<104x64xf32, #tpu.memory_space<vmem>>
      %dma_start3A_134 = arith.constant 0 : i32
      %dma_start3A_135 = tpu.memref_slice %arg6[%dma_start3A_130, %dma_start3A_134] : memref<4x200xi32, #tpu.memory_space<vmem>> -> memref<1x104xi32, #tpu.memory_space<vmem>>
      %dma_start3A_136 = tpu.memref_squeeze %dma_start3A_135 : memref<1x104xi32, #tpu.memory_space<vmem>> -> memref<104xi32, #tpu.memory_space<vmem>>
      %dma_start3A_137 = arith.constant 0 : i32
      %dma_start3A_138 = arith.constant 0 : i32
      %dma_start3A_139 = tpu.memref_slice %arg3[%dma_start3A_137, %dma_start3A_138] : memref<100000x64xf32, #tpu.memory_space<hbm>> -> memref<100000x64xf32, #tpu.memory_space<hbm>>
      tpu.enqueue_indirect_dma source(%dma_start3A_139 : memref<100000x64xf32, #tpu.memory_space<hbm>>) target(%dma_start3A_133 : memref<104x64xf32, #tpu.memory_space<vmem>>) offsets(%dma_start3A_136 : memref<104xi32, #tpu.memory_space<vmem>>) semaphore(%arg12 : memref<!tpu.dma_semaphore, #tpu.memory_space<semaphore_mem>>)
      %dma_start3A_140 = arith.constant 0 : i32
      %dma_start3A_141 = arith.constant 104 : i32
      %dma_start3A_142 = arith.constant 0 : i32
      %dma_start3A_143 = tpu.memref_slice %arg7[%dma_start3A_141, %dma_start3A_142] : memref<200x64xf32, #tpu.memory_space<vmem>> -> memref<96x64xf32, #tpu.memory_space<vmem>>
      %dma_start3A_144 = arith.constant 104 : i32
      %dma_start3A_145 = tpu.memref_slice %arg6[%dma_start3A_140, %dma_start3A_144] : memref<4x200xi32, #tpu.memory_space<vmem>> -> memref<1x96xi32, #tpu.memory_space<vmem>>
      %dma_start3A_146 = tpu.memref_squeeze %dma_start3A_145 : memref<1x96xi32, #tpu.memory_space<vmem>> -> memref<96xi32, #tpu.memory_space<vmem>>
      %dma_start3A_147 = arith.constant 0 : i32
      %dma_start3A_148 = arith.constant 0 : i32
      %dma_start3A_149 = tpu.memref_slice %arg3[%dma_start3A_147, %dma_start3A_148] : memref<100000x64xf32, #tpu.memory_space<hbm>> -> memref<100000x64xf32, #tpu.memory_space<hbm>>
      tpu.enqueue_indirect_dma source(%dma_start3A_149 : memref<100000x64xf32, #tpu.memory_space<hbm>>) target(%dma_start3A_143 : memref<96x64xf32, #tpu.memory_space<vmem>>) offsets(%dma_start3A_146 : memref<96xi32, #tpu.memory_space<vmem>>) semaphore(%arg12 : memref<!tpu.dma_semaphore, #tpu.memory_space<semaphore_mem>>)
      %dma_start3A_150 = arith.constant 1 : i32
      %dma_start3A_151 = arith.constant 0 : i32
      %dma_start3A_152 = arith.constant 0 : i32
      %dma_start3A_153 = tpu.memref_slice %arg8[%dma_start3A_151, %dma_start3A_152] : memref<200x64xf32, #tpu.memory_space<vmem>> -> memref<104x64xf32, #tpu.memory_space<vmem>>
      %dma_start3A_154 = arith.constant 0 : i32
      %dma_start3A_155 = tpu.memref_slice %arg6[%dma_start3A_150, %dma_start3A_154] : memref<4x200xi32, #tpu.memory_space<vmem>> -> memref<1x104xi32, #tpu.memory_space<vmem>>
      %dma_start3A_156 = tpu.memref_squeeze %dma_start3A_155 : memref<1x104xi32, #tpu.memory_space<vmem>> -> memref<104xi32, #tpu.memory_space<vmem>>
      %dma_start3A_157 = arith.constant 0 : i32
      %dma_start3A_158 = arith.constant 0 : i32
      %dma_start3A_159 = tpu.memref_slice %arg3[%dma_start3A_157, %dma_start3A_158] : memref<100000x64xf32, #tpu.memory_space<hbm>> -> memref<100000x64xf32, #tpu.memory_space<hbm>>
      tpu.enqueue_indirect_dma source(%dma_start3A_159 : memref<100000x64xf32, #tpu.memory_space<hbm>>) target(%dma_start3A_153 : memref<104x64xf32, #tpu.memory_space<vmem>>) offsets(%dma_start3A_156 : memref<104xi32, #tpu.memory_space<vmem>>) semaphore(%arg12 : memref<!tpu.dma_semaphore, #tpu.memory_space<semaphore_mem>>)
      %dma_start3A_160 = arith.constant 1 : i32
      %dma_start3A_161 = arith.constant 104 : i32
      %dma_start3A_162 = arith.constant 0 : i32
      %dma_start3A_163 = tpu.memref_slice %arg8[%dma_start3A_161, %dma_start3A_162] : memref<200x64xf32, #tpu.memory_space<vmem>> -> memref<96x64xf32, #tpu.memory_space<vmem>>
      %dma_start3A_164 = arith.constant 104 : i32
      %dma_start3A_165 = tpu.memref_slice %arg6[%dma_start3A_160, %dma_start3A_164] : memref<4x200xi32, #tpu.memory_space<vmem>> -> memref<1x96xi32, #tpu.memory_space<vmem>>
      %dma_start3A_166 = tpu.memref_squeeze %dma_start3A_165 : memref<1x96xi32, #tpu.memory_space<vmem>> -> memref<96xi32, #tpu.memory_space<vmem>>
      %dma_start3A_167 = arith.constant 0 : i32
      %dma_start3A_168 = arith.constant 0 : i32
      %dma_start3A_169 = tpu.memref_slice %arg3[%dma_start3A_167, %dma_start3A_168] : memref<100000x64xf32, #tpu.memory_space<hbm>> -> memref<100000x64xf32, #tpu.memory_space<hbm>>
      tpu.enqueue_indirect_dma source(%dma_start3A_169 : memref<100000x64xf32, #tpu.memory_space<hbm>>) target(%dma_start3A_163 : memref<96x64xf32, #tpu.memory_space<vmem>>) offsets(%dma_start3A_166 : memref<96xi32, #tpu.memory_space<vmem>>) semaphore(%arg12 : memref<!tpu.dma_semaphore, #tpu.memory_space<semaphore_mem>>)
      %dma_start3A_170 = arith.constant 2 : i32
      %dma_start3A_171 = arith.constant 0 : i32
      %dma_start3A_172 = arith.constant 0 : i32
      %dma_start3A_173 = tpu.memref_slice %arg9[%dma_start3A_171, %dma_start3A_172] : memref<200x64xf32, #tpu.memory_space<vmem>> -> memref<104x64xf32, #tpu.memory_space<vmem>>
      %dma_start3A_174 = arith.constant 0 : i32
      %dma_start3A_175 = tpu.memref_slice %arg6[%dma_start3A_170, %dma_start3A_174] : memref<4x200xi32, #tpu.memory_space<vmem>> -> memref<1x104xi32, #tpu.memory_space<vmem>>
      %dma_start3A_176 = tpu.memref_squeeze %dma_start3A_175 : memref<1x104xi32, #tpu.memory_space<vmem>> -> memref<104xi32, #tpu.memory_space<vmem>>
      %dma_start3A_177 = arith.constant 0 : i32
      %dma_start3A_178 = arith.constant 0 : i32
      %dma_start3A_179 = tpu.memref_slice %arg3[%dma_start3A_177, %dma_start3A_178] : memref<100000x64xf32, #tpu.memory_space<hbm>> -> memref<100000x64xf32, #tpu.memory_space<hbm>>
      tpu.enqueue_indirect_dma source(%dma_start3A_179 : memref<100000x64xf32, #tpu.memory_space<hbm>>) target(%dma_start3A_173 : memref<104x64xf32, #tpu.memory_space<vmem>>) offsets(%dma_start3A_176 : memref<104xi32, #tpu.memory_space<vmem>>) semaphore(%arg12 : memref<!tpu.dma_semaphore, #tpu.memory_space<semaphore_mem>>)
      %dma_start3A_180 = arith.constant 2 : i32
      %dma_start3A_181 = arith.constant 104 : i32
      %dma_start3A_182 = arith.constant 0 : i32
      %dma_start3A_183 = tpu.memref_slice %arg9[%dma_start3A_181, %dma_start3A_182] : memref<200x64xf32, #tpu.memory_space<vmem>> -> memref<96x64xf32, #tpu.memory_space<vmem>>
      %dma_start3A_184 = arith.constant 104 : i32
      %dma_start3A_185 = tpu.memref_slice %arg6[%dma_start3A_180, %dma_start3A_184] : memref<4x200xi32, #tpu.memory_space<vmem>> -> memref<1x96xi32, #tpu.memory_space<vmem>>
      %dma_start3A_186 = tpu.memref_squeeze %dma_start3A_185 : memref<1x96xi32, #tpu.memory_space<vmem>> -> memref<96xi32, #tpu.memory_space<vmem>>
      %dma_start3A_187 = arith.constant 0 : i32
      %dma_start3A_188 = arith.constant 0 : i32
      %dma_start3A_189 = tpu.memref_slice %arg3[%dma_start3A_187, %dma_start3A_188] : memref<100000x64xf32, #tpu.memory_space<hbm>> -> memref<100000x64xf32, #tpu.memory_space<hbm>>
      tpu.enqueue_indirect_dma source(%dma_start3A_189 : memref<100000x64xf32, #tpu.memory_space<hbm>>) target(%dma_start3A_183 : memref<96x64xf32, #tpu.memory_space<vmem>>) offsets(%dma_start3A_186 : memref<96xi32, #tpu.memory_space<vmem>>) semaphore(%arg12 : memref<!tpu.dma_semaphore, #tpu.memory_space<semaphore_mem>>)
      %dma_start3A_190 = arith.constant 3 : i32
      %dma_start3A_191 = arith.constant 0 : i32
      %dma_start3A_192 = arith.constant 0 : i32
      %dma_start3A_193 = tpu.memref_slice %arg10[%dma_start3A_191, %dma_start3A_192] : memref<200x64xf32, #tpu.memory_space<vmem>> -> memref<104x64xf32, #tpu.memory_space<vmem>>
      %dma_start3A_194 = arith.constant 0 : i32
      %dma_start3A_195 = tpu.memref_slice %arg6[%dma_start3A_190, %dma_start3A_194] : memref<4x200xi32, #tpu.memory_space<vmem>> -> memref<1x104xi32, #tpu.memory_space<vmem>>
      %dma_start3A_196 = tpu.memref_squeeze %dma_start3A_195 : memref<1x104xi32, #tpu.memory_space<vmem>> -> memref<104xi32, #tpu.memory_space<vmem>>
      %dma_start3A_197 = arith.constant 0 : i32
      %dma_start3A_198 = arith.constant 0 : i32
      %dma_start3A_199 = tpu.memref_slice %arg3[%dma_start3A_197, %dma_start3A_198] : memref<100000x64xf32, #tpu.memory_space<hbm>> -> memref<100000x64xf32, #tpu.memory_space<hbm>>
      tpu.enqueue_indirect_dma source(%dma_start3A_199 : memref<100000x64xf32, #tpu.memory_space<hbm>>) target(%dma_start3A_193 : memref<104x64xf32, #tpu.memory_space<vmem>>) offsets(%dma_start3A_196 : memref<104xi32, #tpu.memory_space<vmem>>) semaphore(%arg12 : memref<!tpu.dma_semaphore, #tpu.memory_space<semaphore_mem>>)
      %dma_start3A_200 = arith.constant 3 : i32
      %dma_start3A_201 = arith.constant 104 : i32
      %dma_start3A_202 = arith.constant 0 : i32
      %dma_start3A_203 = tpu.memref_slice %arg10[%dma_start3A_201, %dma_start3A_202] : memref<200x64xf32, #tpu.memory_space<vmem>> -> memref<96x64xf32, #tpu.memory_space<vmem>>
      %dma_start3A_204 = arith.constant 104 : i32
      %dma_start3A_205 = tpu.memref_slice %arg6[%dma_start3A_200, %dma_start3A_204] : memref<4x200xi32, #tpu.memory_space<vmem>> -> memref<1x96xi32, #tpu.memory_space<vmem>>
      %dma_start3A_206 = tpu.memref_squeeze %dma_start3A_205 : memref<1x96xi32, #tpu.memory_space<vmem>> -> memref<96xi32, #tpu.memory_space<vmem>>
      %dma_start3A_207 = arith.constant 0 : i32
      %dma_start3A_208 = arith.constant 0 : i32
      %dma_start3A_209 = tpu.memref_slice %arg3[%dma_start3A_207, %dma_start3A_208] : memref<100000x64xf32, #tpu.memory_space<hbm>> -> memref<100000x64xf32, #tpu.memory_space<hbm>>
      tpu.enqueue_indirect_dma source(%dma_start3A_209 : memref<100000x64xf32, #tpu.memory_space<hbm>>) target(%dma_start3A_203 : memref<96x64xf32, #tpu.memory_space<vmem>>) offsets(%dma_start3A_206 : memref<96xi32, #tpu.memory_space<vmem>>) semaphore(%arg12 : memref<!tpu.dma_semaphore, #tpu.memory_space<semaphore_mem>>)
      %dma_wait3A_210 = arith.constant 0 : i32
      %dma_wait3A_211 = arith.constant 0 : i32
      %dma_wait3A_212 = arith.constant 0 : i32
      %dma_wait3A_213 = tpu.memref_slice %arg7[%dma_wait3A_211, %dma_wait3A_212] : memref<200x64xf32, #tpu.memory_space<vmem>> -> memref<104x64xf32, #tpu.memory_space<vmem>>
      %dma_wait3A_214 = arith.constant 0 : i32
      %dma_wait3A_215 = tpu.memref_slice %arg6[%dma_wait3A_210, %dma_wait3A_214] : memref<4x200xi32, #tpu.memory_space<vmem>> -> memref<1x104xi32, #tpu.memory_space<vmem>>
      %dma_wait3A_216 = tpu.memref_squeeze %dma_wait3A_215 : memref<1x104xi32, #tpu.memory_space<vmem>> -> memref<104xi32, #tpu.memory_space<vmem>>
      %dma_wait3A_217 = arith.constant 0 : i32
      %dma_wait3A_218 = arith.constant 0 : i32
      %dma_wait3A_219 = tpu.memref_slice %arg3[%dma_wait3A_217, %dma_wait3A_218] : memref<100000x64xf32, #tpu.memory_space<hbm>> -> memref<100000x64xf32, #tpu.memory_space<hbm>>
      tpu.wait_indirect_dma semaphore(%arg12 : memref<!tpu.dma_semaphore, #tpu.memory_space<semaphore_mem>>) src(%dma_wait3A_219 : memref<100000x64xf32, #tpu.memory_space<hbm>>) dst(%dma_wait3A_213 : memref<104x64xf32, #tpu.memory_space<vmem>>)
      %dma_wait3A_220 = arith.constant 0 : i32
      %dma_wait3A_221 = arith.constant 104 : i32
      %dma_wait3A_222 = arith.constant 0 : i32
      %dma_wait3A_223 = tpu.memref_slice %arg7[%dma_wait3A_221, %dma_wait3A_222] : memref<200x64xf32, #tpu.memory_space<vmem>> -> memref<96x64xf32, #tpu.memory_space<vmem>>
      %dma_wait3A_224 = arith.constant 104 : i32
      %dma_wait3A_225 = tpu.memref_slice %arg6[%dma_wait3A_220, %dma_wait3A_224] : memref<4x200xi32, #tpu.memory_space<vmem>> -> memref<1x96xi32, #tpu.memory_space<vmem>>
      %dma_wait3A_226 = tpu.memref_squeeze %dma_wait3A_225 : memref<1x96xi32, #tpu.memory_space<vmem>> -> memref<96xi32, #tpu.memory_space<vmem>>
      %dma_wait3A_227 = arith.constant 0 : i32
      %dma_wait3A_228 = arith.constant 0 : i32
      %dma_wait3A_229 = tpu.memref_slice %arg3[%dma_wait3A_227, %dma_wait3A_228] : memref<100000x64xf32, #tpu.memory_space<hbm>> -> memref<100000x64xf32, #tpu.memory_space<hbm>>
      tpu.wait_indirect_dma semaphore(%arg12 : memref<!tpu.dma_semaphore, #tpu.memory_space<semaphore_mem>>) src(%dma_wait3A_229 : memref<100000x64xf32, #tpu.memory_space<hbm>>) dst(%dma_wait3A_223 : memref<96x64xf32, #tpu.memory_space<vmem>>)
      %scan3A_230 = arith.constant 0 : i32
      %scan3A_231 = arith.constant 0 : i32
      %scan3A_232 = arith.constant 200 : i32
      %scan3A_233 = arith.addi %scan3A_231, %scan3A_232 : i32
      %scan3A_234 = arith.constant 1 : i32
      scf.for %scan3A_354 = %scan3A_231 to %scan3A_233 step %scan3A_234  : i32 {
        %get3A = arith.index_cast %scan3A_354 : i32 to index
        %get3A_355 = arith.constant 0 : index
        %get3A_356 = tpu.vector_load %arg7[%get3A, %get3A_355] {strides = array<i32>} : memref<200x64xf32, #tpu.memory_space<vmem>>, vector<1x16xf32>,
        %get3A_357 = vector.shape_cast %get3A_356 : vector<1x16xf32> to vector<16xf32>
        %get3A_358 = arith.index_cast %scan3A_354 : i32 to index
        %get3A_359 = arith.constant 0 : index
        %get3A_360 = tpu.vector_load %arg11[%get3A_358, %get3A_359] {strides = array<i32>} : memref<200x64xf32, #tpu.memory_space<vmem>>, vector<1x16xf32>,
        %get3A_361 = vector.shape_cast %get3A_360 : vector<1x16xf32> to vector<16xf32>
        %add3A_362 = arith.addf %get3A_357, %get3A_361 : vector<16xf32>
        %swap3A = arith.index_cast %scan3A_354 : i32 to index
        %swap3A_363 = arith.constant 0 : index
        %swap3A_364 = tpu.vector_load %arg7[%swap3A, %swap3A_363] {strides = array<i32>} : memref<200x64xf32, #tpu.memory_space<vmem>>, vector<1x16xf32>,
        %swap3A_365 = vector.shape_cast %swap3A_364 : vector<1x16xf32> to vector<16xf32>
        %swap3A_366 = vector.shape_cast %add3A_362 : vector<16xf32> to vector<1x16xf32>
        tpu.vector_store %arg7[%swap3A, %swap3A_363], %swap3A_366 {strides = array<i32>} : memref<200x64xf32, #tpu.memory_space<vmem>>, vector<1x16xf32>,
        %get3A_367 = arith.index_cast %scan3A_354 : i32 to index
        %get3A_368 = arith.constant 16 : index
        %get3A_369 = tpu.vector_load %arg7[%get3A_367, %get3A_368] {strides = array<i32>} : memref<200x64xf32, #tpu.memory_space<vmem>>, vector<1x16xf32>,
        %get3A_370 = vector.shape_cast %get3A_369 : vector<1x16xf32> to vector<16xf32>
        %get3A_371 = arith.index_cast %scan3A_354 : i32 to index
        %get3A_372 = arith.constant 16 : index
        %get3A_373 = tpu.vector_load %arg11[%get3A_371, %get3A_372] {strides = array<i32>} : memref<200x64xf32, #tpu.memory_space<vmem>>, vector<1x16xf32>,
        %get3A_374 = vector.shape_cast %get3A_373 : vector<1x16xf32> to vector<16xf32>
        %add3A_375 = arith.addf %get3A_370, %get3A_374 : vector<16xf32>
        %swap3A_376 = arith.index_cast %scan3A_354 : i32 to index
        %swap3A_377 = arith.constant 16 : index
        %swap3A_378 = tpu.vector_load %arg7[%swap3A_376, %swap3A_377] {strides = array<i32>} : memref<200x64xf32, #tpu.memory_space<vmem>>, vector<1x16xf32>,
        %swap3A_379 = vector.shape_cast %swap3A_378 : vector<1x16xf32> to vector<16xf32>
        %swap3A_380 = vector.shape_cast %add3A_375 : vector<16xf32> to vector<1x16xf32>
        tpu.vector_store %arg7[%swap3A_376, %swap3A_377], %swap3A_380 {strides = array<i32>} : memref<200x64xf32, #tpu.memory_space<vmem>>, vector<1x16xf32>,
        %get3A_381 = arith.index_cast %scan3A_354 : i32 to index
        %get3A_382 = arith.constant 32 : index
        %get3A_383 = tpu.vector_load %arg7[%get3A_381, %get3A_382] {strides = array<i32>} : memref<200x64xf32, #tpu.memory_space<vmem>>, vector<1x16xf32>,
        %get3A_384 = vector.shape_cast %get3A_383 : vector<1x16xf32> to vector<16xf32>
        %get3A_385 = arith.index_cast %scan3A_354 : i32 to index
        %get3A_386 = arith.constant 32 : index
        %get3A_387 = tpu.vector_load %arg11[%get3A_385, %get3A_386] {strides = array<i32>} : memref<200x64xf32, #tpu.memory_space<vmem>>, vector<1x16xf32>,
        %get3A_388 = vector.shape_cast %get3A_387 : vector<1x16xf32> to vector<16xf32>
        %add3A_389 = arith.addf %get3A_384, %get3A_388 : vector<16xf32>
        %swap3A_390 = arith.index_cast %scan3A_354 : i32 to index
        %swap3A_391 = arith.constant 32 : index
        %swap3A_392 = tpu.vector_load %arg7[%swap3A_390, %swap3A_391] {strides = array<i32>} : memref<200x64xf32, #tpu.memory_space<vmem>>, vector<1x16xf32>,
        %swap3A_393 = vector.shape_cast %swap3A_392 : vector<1x16xf32> to vector<16xf32>
        %swap3A_394 = vector.shape_cast %add3A_389 : vector<16xf32> to vector<1x16xf32>
        tpu.vector_store %arg7[%swap3A_390, %swap3A_391], %swap3A_394 {strides = array<i32>} : memref<200x64xf32, #tpu.memory_space<vmem>>, vector<1x16xf32>,
        %get3A_395 = arith.index_cast %scan3A_354 : i32 to index
        %get3A_396 = arith.constant 48 : index
        %get3A_397 = tpu.vector_load %arg7[%get3A_395, %get3A_396] {strides = array<i32>} : memref<200x64xf32, #tpu.memory_space<vmem>>, vector<1x16xf32>,
        %get3A_398 = vector.shape_cast %get3A_397 : vector<1x16xf32> to vector<16xf32>
        %get3A_399 = arith.index_cast %scan3A_354 : i32 to index
        %get3A_400 = arith.constant 48 : index
        %get3A_401 = tpu.vector_load %arg11[%get3A_399, %get3A_400] {strides = array<i32>} : memref<200x64xf32, #tpu.memory_space<vmem>>, vector<1x16xf32>,
        %get3A_402 = vector.shape_cast %get3A_401 : vector<1x16xf32> to vector<16xf32>
        %add3A_403 = arith.addf %get3A_398, %get3A_402 : vector<16xf32>
        %swap3A_404 = arith.index_cast %scan3A_354 : i32 to index
        %swap3A_405 = arith.constant 48 : index
        %swap3A_406 = tpu.vector_load %arg7[%swap3A_404, %swap3A_405] {strides = array<i32>} : memref<200x64xf32, #tpu.memory_space<vmem>>, vector<1x16xf32>,
        %swap3A_407 = vector.shape_cast %swap3A_406 : vector<1x16xf32> to vector<16xf32>
        %swap3A_408 = vector.shape_cast %add3A_403 : vector<16xf32> to vector<1x16xf32>
        tpu.vector_store %arg7[%swap3A_404, %swap3A_405], %swap3A_408 {strides = array<i32>} : memref<200x64xf32, #tpu.memory_space<vmem>>, vector<1x16xf32>,
      }
      %scan3A_235 = arith.constant 200 : i32
      %add3A_236 = arith.constant 0 : i32
      %add3A_237 = arith.addi %add3A_93, %add3A_236 : i32
      %dma_start3A_238 = arith.constant 0 : i32
      %dma_start3A_239 = arith.constant 0 : i32
      %dma_start3A_240 = tpu.memref_slice %arg5[%add3A_237, %dma_start3A_238, %dma_start3A_239] : memref<4096x200x128xf32, #tpu.memory_space<hbm>> -> memref<1x200x64xf32, #tpu.memory_space<hbm>>
      %dma_start3A_241 = tpu.memref_squeeze %dma_start3A_240 : memref<1x200x64xf32, #tpu.memory_space<hbm>> -> memref<200x64xf32, #tpu.memory_space<hbm>>
      %dma_start3A_242 = arith.constant 0 : i32
      %dma_start3A_243 = arith.constant 0 : i32
      %dma_start3A_244 = tpu.memref_slice %arg5[%add3A_237, %dma_start3A_242, %dma_start3A_243] : memref<4096x200x128xf32, #tpu.memory_space<hbm>> -> memref<1x200x64xf32, #tpu.memory_space<hbm>>
      %dma_start3A_245 = tpu.memref_squeeze %dma_start3A_244 : memref<1x200x64xf32, #tpu.memory_space<hbm>> -> memref<200x64xf32, #tpu.memory_space<hbm>>
      tpu.enqueue_dma source(%arg7 : memref<200x64xf32, #tpu.memory_space<vmem>>) target(%dma_start3A_245 : memref<200x64xf32, #tpu.memory_space<hbm>>) target_semaphore(%arg13 : memref<!tpu.dma_semaphore, #tpu.memory_space<semaphore_mem>>)
      %dma_wait3A_246 = arith.constant 1 : i32
      %dma_wait3A_247 = arith.constant 0 : i32
      %dma_wait3A_248 = arith.constant 0 : i32
      %dma_wait3A_249 = tpu.memref_slice %arg8[%dma_wait3A_247, %dma_wait3A_248] : memref<200x64xf32, #tpu.memory_space<vmem>> -> memref<104x64xf32, #tpu.memory_space<vmem>>
      %dma_wait3A_250 = arith.constant 0 : i32
      %dma_wait3A_251 = tpu.memref_slice %arg6[%dma_wait3A_246, %dma_wait3A_250] : memref<4x200xi32, #tpu.memory_space<vmem>> -> memref<1x104xi32, #tpu.memory_space<vmem>>
      %dma_wait3A_252 = tpu.memref_squeeze %dma_wait3A_251 : memref<1x104xi32, #tpu.memory_space<vmem>> -> memref<104xi32, #tpu.memory_space<vmem>>
      %dma_wait3A_253 = arith.constant 0 : i32
      %dma_wait3A_254 = arith.constant 0 : i32
      %dma_wait3A_255 = tpu.memref_slice %arg3[%dma_wait3A_253, %dma_wait3A_254] : memref<100000x64xf32, #tpu.memory_space<hbm>> -> memref<100000x64xf32, #tpu.memory_space<hbm>>
      tpu.wait_indirect_dma semaphore(%arg12 : memref<!tpu.dma_semaphore, #tpu.memory_space<semaphore_mem>>) src(%dma_wait3A_255 : memref<100000x64xf32, #tpu.memory_space<hbm>>) dst(%dma_wait3A_249 : memref<104x64xf32, #tpu.memory_space<vmem>>)
      %dma_wait3A_256 = arith.constant 1 : i32
      %dma_wait3A_257 = arith.constant 104 : i32
      %dma_wait3A_258 = arith.constant 0 : i32
      %dma_wait3A_259 = tpu.memref_slice %arg8[%dma_wait3A_257, %dma_wait3A_258] : memref<200x64xf32, #tpu.memory_space<vmem>> -> memref<96x64xf32, #tpu.memory_space<vmem>>
      %dma_wait3A_260 = arith.constant 104 : i32
      %dma_wait3A_261 = tpu.memref_slice %arg6[%dma_wait3A_256, %dma_wait3A_260] : memref<4x200xi32, #tpu.memory_space<vmem>> -> memref<1x96xi32, #tpu.memory_space<vmem>>
      %dma_wait3A_262 = tpu.memref_squeeze %dma_wait3A_261 : memref<1x96xi32, #tpu.memory_space<vmem>> -> memref<96xi32, #tpu.memory_space<vmem>>
      %dma_wait3A_263 = arith.constant 0 : i32
      %dma_wait3A_264 = arith.constant 0 : i32
      %dma_wait3A_265 = tpu.memref_slice %arg3[%dma_wait3A_263, %dma_wait3A_264] : memref<100000x64xf32, #tpu.memory_space<hbm>> -> memref<100000x64xf32, #tpu.memory_space<hbm>>
      tpu.wait_indirect_dma semaphore(%arg12 : memref<!tpu.dma_semaphore, #tpu.memory_space<semaphore_mem>>) src(%dma_wait3A_265 : memref<100000x64xf32, #tpu.memory_space<hbm>>) dst(%dma_wait3A_259 : memref<96x64xf32, #tpu.memory_space<vmem>>)
      %scan3A_266 = arith.constant 0 : i32
      %scan3A_267 = arith.constant 0 : i32
      %scan3A_268 = arith.constant 200 : i32
      %scan3A_269 = arith.addi %scan3A_267, %scan3A_268 : i32
      %scan3A_270 = arith.constant 1 : i32
      scf.for %scan3A_354 = %scan3A_267 to %scan3A_269 step %scan3A_270  : i32 {
        %get3A = arith.index_cast %scan3A_354 : i32 to index
        %get3A_355 = arith.constant 0 : index
        %get3A_356 = tpu.vector_load %arg8[%get3A, %get3A_355] {strides = array<i32>} : memref<200x64xf32, #tpu.memory_space<vmem>>, vector<1x16xf32>,
        %get3A_357 = vector.shape_cast %get3A_356 : vector<1x16xf32> to vector<16xf32>
        %get3A_358 = arith.index_cast %scan3A_354 : i32 to index
        %get3A_359 = arith.constant 0 : index
        %get3A_360 = tpu.vector_load %arg11[%get3A_358, %get3A_359] {strides = array<i32>} : memref<200x64xf32, #tpu.memory_space<vmem>>, vector<1x16xf32>,
        %get3A_361 = vector.shape_cast %get3A_360 : vector<1x16xf32> to vector<16xf32>
        %add3A_362 = arith.addf %get3A_357, %get3A_361 : vector<16xf32>
        %swap3A = arith.index_cast %scan3A_354 : i32 to index
        %swap3A_363 = arith.constant 0 : index
        %swap3A_364 = tpu.vector_load %arg8[%swap3A, %swap3A_363] {strides = array<i32>} : memref<200x64xf32, #tpu.memory_space<vmem>>, vector<1x16xf32>,
        %swap3A_365 = vector.shape_cast %swap3A_364 : vector<1x16xf32> to vector<16xf32>
        %swap3A_366 = vector.shape_cast %add3A_362 : vector<16xf32> to vector<1x16xf32>
        tpu.vector_store %arg8[%swap3A, %swap3A_363], %swap3A_366 {strides = array<i32>} : memref<200x64xf32, #tpu.memory_space<vmem>>, vector<1x16xf32>,
        %get3A_367 = arith.index_cast %scan3A_354 : i32 to index
        %get3A_368 = arith.constant 16 : index
        %get3A_369 = tpu.vector_load %arg8[%get3A_367, %get3A_368] {strides = array<i32>} : memref<200x64xf32, #tpu.memory_space<vmem>>, vector<1x16xf32>,
        %get3A_370 = vector.shape_cast %get3A_369 : vector<1x16xf32> to vector<16xf32>
        %get3A_371 = arith.index_cast %scan3A_354 : i32 to index
        %get3A_372 = arith.constant 16 : index
        %get3A_373 = tpu.vector_load %arg11[%get3A_371, %get3A_372] {strides = array<i32>} : memref<200x64xf32, #tpu.memory_space<vmem>>, vector<1x16xf32>,
        %get3A_374 = vector.shape_cast %get3A_373 : vector<1x16xf32> to vector<16xf32>
        %add3A_375 = arith.addf %get3A_370, %get3A_374 : vector<16xf32>
        %swap3A_376 = arith.index_cast %scan3A_354 : i32 to index
        %swap3A_377 = arith.constant 16 : index
        %swap3A_378 = tpu.vector_load %arg8[%swap3A_376, %swap3A_377] {strides = array<i32>} : memref<200x64xf32, #tpu.memory_space<vmem>>, vector<1x16xf32>,
        %swap3A_379 = vector.shape_cast %swap3A_378 : vector<1x16xf32> to vector<16xf32>
        %swap3A_380 = vector.shape_cast %add3A_375 : vector<16xf32> to vector<1x16xf32>
        tpu.vector_store %arg8[%swap3A_376, %swap3A_377], %swap3A_380 {strides = array<i32>} : memref<200x64xf32, #tpu.memory_space<vmem>>, vector<1x16xf32>,
        %get3A_381 = arith.index_cast %scan3A_354 : i32 to index
        %get3A_382 = arith.constant 32 : index
        %get3A_383 = tpu.vector_load %arg8[%get3A_381, %get3A_382] {strides = array<i32>} : memref<200x64xf32, #tpu.memory_space<vmem>>, vector<1x16xf32>,
        %get3A_384 = vector.shape_cast %get3A_383 : vector<1x16xf32> to vector<16xf32>
        %get3A_385 = arith.index_cast %scan3A_354 : i32 to index
        %get3A_386 = arith.constant 32 : index
        %get3A_387 = tpu.vector_load %arg11[%get3A_385, %get3A_386] {strides = array<i32>} : memref<200x64xf32, #tpu.memory_space<vmem>>, vector<1x16xf32>,
        %get3A_388 = vector.shape_cast %get3A_387 : vector<1x16xf32> to vector<16xf32>
        %add3A_389 = arith.addf %get3A_384, %get3A_388 : vector<16xf32>
        %swap3A_390 = arith.index_cast %scan3A_354 : i32 to index
        %swap3A_391 = arith.constant 32 : index
        %swap3A_392 = tpu.vector_load %arg8[%swap3A_390, %swap3A_391] {strides = array<i32>} : memref<200x64xf32, #tpu.memory_space<vmem>>, vector<1x16xf32>,
        %swap3A_393 = vector.shape_cast %swap3A_392 : vector<1x16xf32> to vector<16xf32>
        %swap3A_394 = vector.shape_cast %add3A_389 : vector<16xf32> to vector<1x16xf32>
        tpu.vector_store %arg8[%swap3A_390, %swap3A_391], %swap3A_394 {strides = array<i32>} : memref<200x64xf32, #tpu.memory_space<vmem>>, vector<1x16xf32>,
        %get3A_395 = arith.index_cast %scan3A_354 : i32 to index
        %get3A_396 = arith.constant 48 : index
        %get3A_397 = tpu.vector_load %arg8[%get3A_395, %get3A_396] {strides = array<i32>} : memref<200x64xf32, #tpu.memory_space<vmem>>, vector<1x16xf32>,
        %get3A_398 = vector.shape_cast %get3A_397 : vector<1x16xf32> to vector<16xf32>
        %get3A_399 = arith.index_cast %scan3A_354 : i32 to index
        %get3A_400 = arith.constant 48 : index
        %get3A_401 = tpu.vector_load %arg11[%get3A_399, %get3A_400] {strides = array<i32>} : memref<200x64xf32, #tpu.memory_space<vmem>>, vector<1x16xf32>,
        %get3A_402 = vector.shape_cast %get3A_401 : vector<1x16xf32> to vector<16xf32>
        %add3A_403 = arith.addf %get3A_398, %get3A_402 : vector<16xf32>
        %swap3A_404 = arith.index_cast %scan3A_354 : i32 to index
        %swap3A_405 = arith.constant 48 : index
        %swap3A_406 = tpu.vector_load %arg8[%swap3A_404, %swap3A_405] {strides = array<i32>} : memref<200x64xf32, #tpu.memory_space<vmem>>, vector<1x16xf32>,
        %swap3A_407 = vector.shape_cast %swap3A_406 : vector<1x16xf32> to vector<16xf32>
        %swap3A_408 = vector.shape_cast %add3A_403 : vector<16xf32> to vector<1x16xf32>
        tpu.vector_store %arg8[%swap3A_404, %swap3A_405], %swap3A_408 {strides = array<i32>} : memref<200x64xf32, #tpu.memory_space<vmem>>, vector<1x16xf32>,
      }
      %scan3A_271 = arith.constant 200 : i32
      %add3A_272 = arith.constant 1 : i32
      %add3A_273 = arith.addi %add3A_93, %add3A_272 : i32
      %dma_start3A_274 = arith.constant 0 : i32
      %dma_start3A_275 = arith.constant 0 : i32
      %dma_start3A_276 = tpu.memref_slice %arg5[%add3A_273, %dma_start3A_274, %dma_start3A_275] : memref<4096x200x128xf32, #tpu.memory_space<hbm>> -> memref<1x200x64xf32, #tpu.memory_space<hbm>>
      %dma_start3A_277 = tpu.memref_squeeze %dma_start3A_276 : memref<1x200x64xf32, #tpu.memory_space<hbm>> -> memref<200x64xf32, #tpu.memory_space<hbm>>
      %dma_start3A_278 = arith.constant 0 : i32
      %dma_start3A_279 = arith.constant 0 : i32
      %dma_start3A_280 = tpu.memref_slice %arg5[%add3A_273, %dma_start3A_278, %dma_start3A_279] : memref<4096x200x128xf32, #tpu.memory_space<hbm>> -> memref<1x200x64xf32, #tpu.memory_space<hbm>>
      %dma_start3A_281 = tpu.memref_squeeze %dma_start3A_280 : memref<1x200x64xf32, #tpu.memory_space<hbm>> -> memref<200x64xf32, #tpu.memory_space<hbm>>
      tpu.enqueue_dma source(%arg8 : memref<200x64xf32, #tpu.memory_space<vmem>>) target(%dma_start3A_281 : memref<200x64xf32, #tpu.memory_space<hbm>>) target_semaphore(%arg13 : memref<!tpu.dma_semaphore, #tpu.memory_space<semaphore_mem>>)
      %dma_wait3A_282 = arith.constant 2 : i32
      %dma_wait3A_283 = arith.constant 0 : i32
      %dma_wait3A_284 = arith.constant 0 : i32
      %dma_wait3A_285 = tpu.memref_slice %arg9[%dma_wait3A_283, %dma_wait3A_284] : memref<200x64xf32, #tpu.memory_space<vmem>> -> memref<104x64xf32, #tpu.memory_space<vmem>>
      %dma_wait3A_286 = arith.constant 0 : i32
      %dma_wait3A_287 = tpu.memref_slice %arg6[%dma_wait3A_282, %dma_wait3A_286] : memref<4x200xi32, #tpu.memory_space<vmem>> -> memref<1x104xi32, #tpu.memory_space<vmem>>
      %dma_wait3A_288 = tpu.memref_squeeze %dma_wait3A_287 : memref<1x104xi32, #tpu.memory_space<vmem>> -> memref<104xi32, #tpu.memory_space<vmem>>
      %dma_wait3A_289 = arith.constant 0 : i32
      %dma_wait3A_290 = arith.constant 0 : i32
      %dma_wait3A_291 = tpu.memref_slice %arg3[%dma_wait3A_289, %dma_wait3A_290] : memref<100000x64xf32, #tpu.memory_space<hbm>> -> memref<100000x64xf32, #tpu.memory_space<hbm>>
      tpu.wait_indirect_dma semaphore(%arg12 : memref<!tpu.dma_semaphore, #tpu.memory_space<semaphore_mem>>) src(%dma_wait3A_291 : memref<100000x64xf32, #tpu.memory_space<hbm>>) dst(%dma_wait3A_285 : memref<104x64xf32, #tpu.memory_space<vmem>>)
      %dma_wait3A_292 = arith.constant 2 : i32
      %dma_wait3A_293 = arith.constant 104 : i32
      %dma_wait3A_294 = arith.constant 0 : i32
      %dma_wait3A_295 = tpu.memref_slice %arg9[%dma_wait3A_293, %dma_wait3A_294] : memref<200x64xf32, #tpu.memory_space<vmem>> -> memref<96x64xf32, #tpu.memory_space<vmem>>
      %dma_wait3A_296 = arith.constant 104 : i32
      %dma_wait3A_297 = tpu.memref_slice %arg6[%dma_wait3A_292, %dma_wait3A_296] : memref<4x200xi32, #tpu.memory_space<vmem>> -> memref<1x96xi32, #tpu.memory_space<vmem>>
      %dma_wait3A_298 = tpu.memref_squeeze %dma_wait3A_297 : memref<1x96xi32, #tpu.memory_space<vmem>> -> memref<96xi32, #tpu.memory_space<vmem>>
      %dma_wait3A_299 = arith.constant 0 : i32
      %dma_wait3A_300 = arith.constant 0 : i32
      %dma_wait3A_301 = tpu.memref_slice %arg3[%dma_wait3A_299, %dma_wait3A_300] : memref<100000x64xf32, #tpu.memory_space<hbm>> -> memref<100000x64xf32, #tpu.memory_space<hbm>>
      tpu.wait_indirect_dma semaphore(%arg12 : memref<!tpu.dma_semaphore, #tpu.memory_space<semaphore_mem>>) src(%dma_wait3A_301 : memref<100000x64xf32, #tpu.memory_space<hbm>>) dst(%dma_wait3A_295 : memref<96x64xf32, #tpu.memory_space<vmem>>)
      %scan3A_302 = arith.constant 0 : i32
      %scan3A_303 = arith.constant 0 : i32
      %scan3A_304 = arith.constant 200 : i32
      %scan3A_305 = arith.addi %scan3A_303, %scan3A_304 : i32
      %scan3A_306 = arith.constant 1 : i32
      scf.for %scan3A_354 = %scan3A_303 to %scan3A_305 step %scan3A_306  : i32 {
        %get3A = arith.index_cast %scan3A_354 : i32 to index
        %get3A_355 = arith.constant 0 : index
        %get3A_356 = tpu.vector_load %arg9[%get3A, %get3A_355] {strides = array<i32>} : memref<200x64xf32, #tpu.memory_space<vmem>>, vector<1x16xf32>,
        %get3A_357 = vector.shape_cast %get3A_356 : vector<1x16xf32> to vector<16xf32>
        %get3A_358 = arith.index_cast %scan3A_354 : i32 to index
        %get3A_359 = arith.constant 0 : index
        %get3A_360 = tpu.vector_load %arg11[%get3A_358, %get3A_359] {strides = array<i32>} : memref<200x64xf32, #tpu.memory_space<vmem>>, vector<1x16xf32>,
        %get3A_361 = vector.shape_cast %get3A_360 : vector<1x16xf32> to vector<16xf32>
        %add3A_362 = arith.addf %get3A_357, %get3A_361 : vector<16xf32>
        %swap3A = arith.index_cast %scan3A_354 : i32 to index
        %swap3A_363 = arith.constant 0 : index
        %swap3A_364 = tpu.vector_load %arg9[%swap3A, %swap3A_363] {strides = array<i32>} : memref<200x64xf32, #tpu.memory_space<vmem>>, vector<1x16xf32>,
        %swap3A_365 = vector.shape_cast %swap3A_364 : vector<1x16xf32> to vector<16xf32>
        %swap3A_366 = vector.shape_cast %add3A_362 : vector<16xf32> to vector<1x16xf32>
        tpu.vector_store %arg9[%swap3A, %swap3A_363], %swap3A_366 {strides = array<i32>} : memref<200x64xf32, #tpu.memory_space<vmem>>, vector<1x16xf32>,
        %get3A_367 = arith.index_cast %scan3A_354 : i32 to index
        %get3A_368 = arith.constant 16 : index
        %get3A_369 = tpu.vector_load %arg9[%get3A_367, %get3A_368] {strides = array<i32>} : memref<200x64xf32, #tpu.memory_space<vmem>>, vector<1x16xf32>,
        %get3A_370 = vector.shape_cast %get3A_369 : vector<1x16xf32> to vector<16xf32>
        %get3A_371 = arith.index_cast %scan3A_354 : i32 to index
        %get3A_372 = arith.constant 16 : index
        %get3A_373 = tpu.vector_load %arg11[%get3A_371, %get3A_372] {strides = array<i32>} : memref<200x64xf32, #tpu.memory_space<vmem>>, vector<1x16xf32>,
        %get3A_374 = vector.shape_cast %get3A_373 : vector<1x16xf32> to vector<16xf32>
        %add3A_375 = arith.addf %get3A_370, %get3A_374 : vector<16xf32>
        %swap3A_376 = arith.index_cast %scan3A_354 : i32 to index
        %swap3A_377 = arith.constant 16 : index
        %swap3A_378 = tpu.vector_load %arg9[%swap3A_376, %swap3A_377] {strides = array<i32>} : memref<200x64xf32, #tpu.memory_space<vmem>>, vector<1x16xf32>,
        %swap3A_379 = vector.shape_cast %swap3A_378 : vector<1x16xf32> to vector<16xf32>
        %swap3A_380 = vector.shape_cast %add3A_375 : vector<16xf32> to vector<1x16xf32>
        tpu.vector_store %arg9[%swap3A_376, %swap3A_377], %swap3A_380 {strides = array<i32>} : memref<200x64xf32, #tpu.memory_space<vmem>>, vector<1x16xf32>,
        %get3A_381 = arith.index_cast %scan3A_354 : i32 to index
        %get3A_382 = arith.constant 32 : index
        %get3A_383 = tpu.vector_load %arg9[%get3A_381, %get3A_382] {strides = array<i32>} : memref<200x64xf32, #tpu.memory_space<vmem>>, vector<1x16xf32>,
        %get3A_384 = vector.shape_cast %get3A_383 : vector<1x16xf32> to vector<16xf32>
        %get3A_385 = arith.index_cast %scan3A_354 : i32 to index
        %get3A_386 = arith.constant 32 : index
        %get3A_387 = tpu.vector_load %arg11[%get3A_385, %get3A_386] {strides = array<i32>} : memref<200x64xf32, #tpu.memory_space<vmem>>, vector<1x16xf32>,
        %get3A_388 = vector.shape_cast %get3A_387 : vector<1x16xf32> to vector<16xf32>
        %add3A_389 = arith.addf %get3A_384, %get3A_388 : vector<16xf32>
        %swap3A_390 = arith.index_cast %scan3A_354 : i32 to index
        %swap3A_391 = arith.constant 32 : index
        %swap3A_392 = tpu.vector_load %arg9[%swap3A_390, %swap3A_391] {strides = array<i32>} : memref<200x64xf32, #tpu.memory_space<vmem>>, vector<1x16xf32>,
        %swap3A_393 = vector.shape_cast %swap3A_392 : vector<1x16xf32> to vector<16xf32>
        %swap3A_394 = vector.shape_cast %add3A_389 : vector<16xf32> to vector<1x16xf32>
        tpu.vector_store %arg9[%swap3A_390, %swap3A_391], %swap3A_394 {strides = array<i32>} : memref<200x64xf32, #tpu.memory_space<vmem>>, vector<1x16xf32>,
        %get3A_395 = arith.index_cast %scan3A_354 : i32 to index
        %get3A_396 = arith.constant 48 : index
        %get3A_397 = tpu.vector_load %arg9[%get3A_395, %get3A_396] {strides = array<i32>} : memref<200x64xf32, #tpu.memory_space<vmem>>, vector<1x16xf32>,
        %get3A_398 = vector.shape_cast %get3A_397 : vector<1x16xf32> to vector<16xf32>
        %get3A_399 = arith.index_cast %scan3A_354 : i32 to index
        %get3A_400 = arith.constant 48 : index
        %get3A_401 = tpu.vector_load %arg11[%get3A_399, %get3A_400] {strides = array<i32>} : memref<200x64xf32, #tpu.memory_space<vmem>>, vector<1x16xf32>,
        %get3A_402 = vector.shape_cast %get3A_401 : vector<1x16xf32> to vector<16xf32>
        %add3A_403 = arith.addf %get3A_398, %get3A_402 : vector<16xf32>
        %swap3A_404 = arith.index_cast %scan3A_354 : i32 to index
        %swap3A_405 = arith.constant 48 : index
        %swap3A_406 = tpu.vector_load %arg9[%swap3A_404, %swap3A_405] {strides = array<i32>} : memref<200x64xf32, #tpu.memory_space<vmem>>, vector<1x16xf32>,
        %swap3A_407 = vector.shape_cast %swap3A_406 : vector<1x16xf32> to vector<16xf32>
        %swap3A_408 = vector.shape_cast %add3A_403 : vector<16xf32> to vector<1x16xf32>
        tpu.vector_store %arg9[%swap3A_404, %swap3A_405], %swap3A_408 {strides = array<i32>} : memref<200x64xf32, #tpu.memory_space<vmem>>, vector<1x16xf32>,
      }
      %scan3A_307 = arith.constant 200 : i32
      %add3A_308 = arith.constant 2 : i32
      %add3A_309 = arith.addi %add3A_93, %add3A_308 : i32
      %dma_start3A_310 = arith.constant 0 : i32
      %dma_start3A_311 = arith.constant 0 : i32
      %dma_start3A_312 = tpu.memref_slice %arg5[%add3A_309, %dma_start3A_310, %dma_start3A_311] : memref<4096x200x128xf32, #tpu.memory_space<hbm>> -> memref<1x200x64xf32, #tpu.memory_space<hbm>>
      %dma_start3A_313 = tpu.memref_squeeze %dma_start3A_312 : memref<1x200x64xf32, #tpu.memory_space<hbm>> -> memref<200x64xf32, #tpu.memory_space<hbm>>
      %dma_start3A_314 = arith.constant 0 : i32
      %dma_start3A_315 = arith.constant 0 : i32
      %dma_start3A_316 = tpu.memref_slice %arg5[%add3A_309, %dma_start3A_314, %dma_start3A_315] : memref<4096x200x128xf32, #tpu.memory_space<hbm>> -> memref<1x200x64xf32, #tpu.memory_space<hbm>>
      %dma_start3A_317 = tpu.memref_squeeze %dma_start3A_316 : memref<1x200x64xf32, #tpu.memory_space<hbm>> -> memref<200x64xf32, #tpu.memory_space<hbm>>
      tpu.enqueue_dma source(%arg9 : memref<200x64xf32, #tpu.memory_space<vmem>>) target(%dma_start3A_317 : memref<200x64xf32, #tpu.memory_space<hbm>>) target_semaphore(%arg13 : memref<!tpu.dma_semaphore, #tpu.memory_space<semaphore_mem>>)
      %dma_wait3A_318 = arith.constant 3 : i32
      %dma_wait3A_319 = arith.constant 0 : i32
      %dma_wait3A_320 = arith.constant 0 : i32
      %dma_wait3A_321 = tpu.memref_slice %arg10[%dma_wait3A_319, %dma_wait3A_320] : memref<200x64xf32, #tpu.memory_space<vmem>> -> memref<104x64xf32, #tpu.memory_space<vmem>>
      %dma_wait3A_322 = arith.constant 0 : i32
      %dma_wait3A_323 = tpu.memref_slice %arg6[%dma_wait3A_318, %dma_wait3A_322] : memref<4x200xi32, #tpu.memory_space<vmem>> -> memref<1x104xi32, #tpu.memory_space<vmem>>
      %dma_wait3A_324 = tpu.memref_squeeze %dma_wait3A_323 : memref<1x104xi32, #tpu.memory_space<vmem>> -> memref<104xi32, #tpu.memory_space<vmem>>
      %dma_wait3A_325 = arith.constant 0 : i32
      %dma_wait3A_326 = arith.constant 0 : i32
      %dma_wait3A_327 = tpu.memref_slice %arg3[%dma_wait3A_325, %dma_wait3A_326] : memref<100000x64xf32, #tpu.memory_space<hbm>> -> memref<100000x64xf32, #tpu.memory_space<hbm>>
      tpu.wait_indirect_dma semaphore(%arg12 : memref<!tpu.dma_semaphore, #tpu.memory_space<semaphore_mem>>) src(%dma_wait3A_327 : memref<100000x64xf32, #tpu.memory_space<hbm>>) dst(%dma_wait3A_321 : memref<104x64xf32, #tpu.memory_space<vmem>>)
      %dma_wait3A_328 = arith.constant 3 : i32
      %dma_wait3A_329 = arith.constant 104 : i32
      %dma_wait3A_330 = arith.constant 0 : i32
      %dma_wait3A_331 = tpu.memref_slice %arg10[%dma_wait3A_329, %dma_wait3A_330] : memref<200x64xf32, #tpu.memory_space<vmem>> -> memref<96x64xf32, #tpu.memory_space<vmem>>
      %dma_wait3A_332 = arith.constant 104 : i32
      %dma_wait3A_333 = tpu.memref_slice %arg6[%dma_wait3A_328, %dma_wait3A_332] : memref<4x200xi32, #tpu.memory_space<vmem>> -> memref<1x96xi32, #tpu.memory_space<vmem>>
      %dma_wait3A_334 = tpu.memref_squeeze %dma_wait3A_333 : memref<1x96xi32, #tpu.memory_space<vmem>> -> memref<96xi32, #tpu.memory_space<vmem>>
      %dma_wait3A_335 = arith.constant 0 : i32
      %dma_wait3A_336 = arith.constant 0 : i32
      %dma_wait3A_337 = tpu.memref_slice %arg3[%dma_wait3A_335, %dma_wait3A_336] : memref<100000x64xf32, #tpu.memory_space<hbm>> -> memref<100000x64xf32, #tpu.memory_space<hbm>>
      tpu.wait_indirect_dma semaphore(%arg12 : memref<!tpu.dma_semaphore, #tpu.memory_space<semaphore_mem>>) src(%dma_wait3A_337 : memref<100000x64xf32, #tpu.memory_space<hbm>>) dst(%dma_wait3A_331 : memref<96x64xf32, #tpu.memory_space<vmem>>)
      %scan3A_338 = arith.constant 0 : i32
      %scan3A_339 = arith.constant 0 : i32
      %scan3A_340 = arith.constant 200 : i32
      %scan3A_341 = arith.addi %scan3A_339, %scan3A_340 : i32
      %scan3A_342 = arith.constant 1 : i32
      scf.for %scan3A_354 = %scan3A_339 to %scan3A_341 step %scan3A_342  : i32 {
        %get3A = arith.index_cast %scan3A_354 : i32 to index
        %get3A_355 = arith.constant 0 : index
        %get3A_356 = tpu.vector_load %arg10[%get3A, %get3A_355] {strides = array<i32>} : memref<200x64xf32, #tpu.memory_space<vmem>>, vector<1x16xf32>,
        %get3A_357 = vector.shape_cast %get3A_356 : vector<1x16xf32> to vector<16xf32>
        %get3A_358 = arith.index_cast %scan3A_354 : i32 to index
        %get3A_359 = arith.constant 0 : index
        %get3A_360 = tpu.vector_load %arg11[%get3A_358, %get3A_359] {strides = array<i32>} : memref<200x64xf32, #tpu.memory_space<vmem>>, vector<1x16xf32>,
        %get3A_361 = vector.shape_cast %get3A_360 : vector<1x16xf32> to vector<16xf32>
        %add3A_362 = arith.addf %get3A_357, %get3A_361 : vector<16xf32>
        %swap3A = arith.index_cast %scan3A_354 : i32 to index
        %swap3A_363 = arith.constant 0 : index
        %swap3A_364 = tpu.vector_load %arg10[%swap3A, %swap3A_363] {strides = array<i32>} : memref<200x64xf32, #tpu.memory_space<vmem>>, vector<1x16xf32>,
        %swap3A_365 = vector.shape_cast %swap3A_364 : vector<1x16xf32> to vector<16xf32>
        %swap3A_366 = vector.shape_cast %add3A_362 : vector<16xf32> to vector<1x16xf32>
        tpu.vector_store %arg10[%swap3A, %swap3A_363], %swap3A_366 {strides = array<i32>} : memref<200x64xf32, #tpu.memory_space<vmem>>, vector<1x16xf32>,
        %get3A_367 = arith.index_cast %scan3A_354 : i32 to index
        %get3A_368 = arith.constant 16 : index
        %get3A_369 = tpu.vector_load %arg10[%get3A_367, %get3A_368] {strides = array<i32>} : memref<200x64xf32, #tpu.memory_space<vmem>>, vector<1x16xf32>,
        %get3A_370 = vector.shape_cast %get3A_369 : vector<1x16xf32> to vector<16xf32>
        %get3A_371 = arith.index_cast %scan3A_354 : i32 to index
        %get3A_372 = arith.constant 16 : index
        %get3A_373 = tpu.vector_load %arg11[%get3A_371, %get3A_372] {strides = array<i32>} : memref<200x64xf32, #tpu.memory_space<vmem>>, vector<1x16xf32>,
        %get3A_374 = vector.shape_cast %get3A_373 : vector<1x16xf32> to vector<16xf32>
        %add3A_375 = arith.addf %get3A_370, %get3A_374 : vector<16xf32>
        %swap3A_376 = arith.index_cast %scan3A_354 : i32 to index
        %swap3A_377 = arith.constant 16 : index
        %swap3A_378 = tpu.vector_load %arg10[%swap3A_376, %swap3A_377] {strides = array<i32>} : memref<200x64xf32, #tpu.memory_space<vmem>>, vector<1x16xf32>,
        %swap3A_379 = vector.shape_cast %swap3A_378 : vector<1x16xf32> to vector<16xf32>
        %swap3A_380 = vector.shape_cast %add3A_375 : vector<16xf32> to vector<1x16xf32>
        tpu.vector_store %arg10[%swap3A_376, %swap3A_377], %swap3A_380 {strides = array<i32>} : memref<200x64xf32, #tpu.memory_space<vmem>>, vector<1x16xf32>,
        %get3A_381 = arith.index_cast %scan3A_354 : i32 to index
        %get3A_382 = arith.constant 32 : index
        %get3A_383 = tpu.vector_load %arg10[%get3A_381, %get3A_382] {strides = array<i32>} : memref<200x64xf32, #tpu.memory_space<vmem>>, vector<1x16xf32>,
        %get3A_384 = vector.shape_cast %get3A_383 : vector<1x16xf32> to vector<16xf32>
        %get3A_385 = arith.index_cast %scan3A_354 : i32 to index
        %get3A_386 = arith.constant 32 : index
        %get3A_387 = tpu.vector_load %arg11[%get3A_385, %get3A_386] {strides = array<i32>} : memref<200x64xf32, #tpu.memory_space<vmem>>, vector<1x16xf32>,
        %get3A_388 = vector.shape_cast %get3A_387 : vector<1x16xf32> to vector<16xf32>
        %add3A_389 = arith.addf %get3A_384, %get3A_388 : vector<16xf32>
        %swap3A_390 = arith.index_cast %scan3A_354 : i32 to index
        %swap3A_391 = arith.constant 32 : index
        %swap3A_392 = tpu.vector_load %arg10[%swap3A_390, %swap3A_391] {strides = array<i32>} : memref<200x64xf32, #tpu.memory_space<vmem>>, vector<1x16xf32>,
        %swap3A_393 = vector.shape_cast %swap3A_392 : vector<1x16xf32> to vector<16xf32>
        %swap3A_394 = vector.shape_cast %add3A_389 : vector<16xf32> to vector<1x16xf32>
        tpu.vector_store %arg10[%swap3A_390, %swap3A_391], %swap3A_394 {strides = array<i32>} : memref<200x64xf32, #tpu.memory_space<vmem>>, vector<1x16xf32>,
        %get3A_395 = arith.index_cast %scan3A_354 : i32 to index
        %get3A_396 = arith.constant 48 : index
        %get3A_397 = tpu.vector_load %arg10[%get3A_395, %get3A_396] {strides = array<i32>} : memref<200x64xf32, #tpu.memory_space<vmem>>, vector<1x16xf32>,
        %get3A_398 = vector.shape_cast %get3A_397 : vector<1x16xf32> to vector<16xf32>
        %get3A_399 = arith.index_cast %scan3A_354 : i32 to index
        %get3A_400 = arith.constant 48 : index
        %get3A_401 = tpu.vector_load %arg11[%get3A_399, %get3A_400] {strides = array<i32>} : memref<200x64xf32, #tpu.memory_space<vmem>>, vector<1x16xf32>,
        %get3A_402 = vector.shape_cast %get3A_401 : vector<1x16xf32> to vector<16xf32>
        %add3A_403 = arith.addf %get3A_398, %get3A_402 : vector<16xf32>
        %swap3A_404 = arith.index_cast %scan3A_354 : i32 to index
        %swap3A_405 = arith.constant 48 : index
        %swap3A_406 = tpu.vector_load %arg10[%swap3A_404, %swap3A_405] {strides = array<i32>} : memref<200x64xf32, #tpu.memory_space<vmem>>, vector<1x16xf32>,
        %swap3A_407 = vector.shape_cast %swap3A_406 : vector<1x16xf32> to vector<16xf32>
        %swap3A_408 = vector.shape_cast %add3A_403 : vector<16xf32> to vector<1x16xf32>
        tpu.vector_store %arg10[%swap3A_404, %swap3A_405], %swap3A_408 {strides = array<i32>} : memref<200x64xf32, #tpu.memory_space<vmem>>, vector<1x16xf32>,
      }
      %scan3A_343 = arith.constant 200 : i32
      %add3A_344 = arith.constant 3 : i32
      %add3A_345 = arith.addi %add3A_93, %add3A_344 : i32
      %dma_start3A_346 = arith.constant 0 : i32
      %dma_start3A_347 = arith.constant 0 : i32
      %dma_start3A_348 = tpu.memref_slice %arg5[%add3A_345, %dma_start3A_346, %dma_start3A_347] : memref<4096x200x128xf32, #tpu.memory_space<hbm>> -> memref<1x200x64xf32, #tpu.memory_space<hbm>>
      %dma_start3A_349 = tpu.memref_squeeze %dma_start3A_348 : memref<1x200x64xf32, #tpu.memory_space<hbm>> -> memref<200x64xf32, #tpu.memory_space<hbm>>
      %dma_start3A_350 = arith.constant 0 : i32
      %dma_start3A_351 = arith.constant 0 : i32
      %dma_start3A_352 = tpu.memref_slice %arg5[%add3A_345, %dma_start3A_350, %dma_start3A_351] : memref<4096x200x128xf32, #tpu.memory_space<hbm>> -> memref<1x200x64xf32, #tpu.memory_space<hbm>>
      %dma_start3A_353 = tpu.memref_squeeze %dma_start3A_352 : memref<1x200x64xf32, #tpu.memory_space<hbm>> -> memref<200x64xf32, #tpu.memory_space<hbm>>
      tpu.enqueue_dma source(%arg10 : memref<200x64xf32, #tpu.memory_space<vmem>>) target(%dma_start3A_353 : memref<200x64xf32, #tpu.memory_space<hbm>>) target_semaphore(%arg13 : memref<!tpu.dma_semaphore, #tpu.memory_space<semaphore_mem>>)
    }
    %scan3A_52 = arith.constant 32 : i32
    %dma_wait3A = arith.constant 0 : i32
    %dma_wait3A_53 = arith.constant 0 : i32
    %dma_wait3A_54 = arith.constant 0 : i32
    %dma_wait3A_55 = tpu.memref_slice %arg5[%dma_wait3A, %dma_wait3A_53, %dma_wait3A_54] : memref<4096x200x128xf32, #tpu.memory_space<hbm>> -> memref<1x200x64xf32, #tpu.memory_space<hbm>>
    %dma_wait3A_56 = tpu.memref_squeeze %dma_wait3A_55 : memref<1x200x64xf32, #tpu.memory_space<hbm>> -> memref<200x64xf32, #tpu.memory_space<hbm>>
    %dma_wait3A_57 = arith.constant 0 : i32
    %dma_wait3A_58 = arith.constant 0 : i32
    %dma_wait3A_59 = tpu.memref_slice %arg5[%dma_wait3A, %dma_wait3A_57, %dma_wait3A_58] : memref<4096x200x128xf32, #tpu.memory_space<hbm>> -> memref<1x200x64xf32, #tpu.memory_space<hbm>>
    %dma_wait3A_60 = tpu.memref_squeeze %dma_wait3A_59 : memref<1x200x64xf32, #tpu.memory_space<hbm>> -> memref<200x64xf32, #tpu.memory_space<hbm>>
    tpu.wait_dma2 semaphore(%arg13 : memref<!tpu.dma_semaphore, #tpu.memory_space<semaphore_mem>>) src(%arg7 : memref<200x64xf32, #tpu.memory_space<vmem>>) dst(%dma_wait3A_60 : memref<200x64xf32, #tpu.memory_space<hbm>>)
    %dma_wait3A_61 = arith.constant 1 : i32
    %dma_wait3A_62 = arith.constant 0 : i32
    %dma_wait3A_63 = arith.constant 0 : i32
    %dma_wait3A_64 = tpu.memref_slice %arg5[%dma_wait3A_61, %dma_wait3A_62, %dma_wait3A_63] : memref<4096x200x128xf32, #tpu.memory_space<hbm>> -> memref<1x200x64xf32, #tpu.memory_space<hbm>>
    %dma_wait3A_65 = tpu.memref_squeeze %dma_wait3A_64 : memref<1x200x64xf32, #tpu.memory_space<hbm>> -> memref<200x64xf32, #tpu.memory_space<hbm>>
    %dma_wait3A_66 = arith.constant 0 : i32
    %dma_wait3A_67 = arith.constant 0 : i32
    %dma_wait3A_68 = tpu.memref_slice %arg5[%dma_wait3A_61, %dma_wait3A_66, %dma_wait3A_67] : memref<4096x200x128xf32, #tpu.memory_space<hbm>> -> memref<1x200x64xf32, #tpu.memory_space<hbm>>
    %dma_wait3A_69 = tpu.memref_squeeze %dma_wait3A_68 : memref<1x200x64xf32, #tpu.memory_space<hbm>> -> memref<200x64xf32, #tpu.memory_space<hbm>>
    tpu.wait_dma2 semaphore(%arg13 : memref<!tpu.dma_semaphore, #tpu.memory_space<semaphore_mem>>) src(%arg8 : memref<200x64xf32, #tpu.memory_space<vmem>>) dst(%dma_wait3A_69 : memref<200x64xf32, #tpu.memory_space<hbm>>)
    %dma_wait3A_70 = arith.constant 2 : i32
    %dma_wait3A_71 = arith.constant 0 : i32
    %dma_wait3A_72 = arith.constant 0 : i32
    %dma_wait3A_73 = tpu.memref_slice %arg5[%dma_wait3A_70, %dma_wait3A_71, %dma_wait3A_72] : memref<4096x200x128xf32, #tpu.memory_space<hbm>> -> memref<1x200x64xf32, #tpu.memory_space<hbm>>
    %dma_wait3A_74 = tpu.memref_squeeze %dma_wait3A_73 : memref<1x200x64xf32, #tpu.memory_space<hbm>> -> memref<200x64xf32, #tpu.memory_space<hbm>>
    %dma_wait3A_75 = arith.constant 0 : i32
    %dma_wait3A_76 = arith.constant 0 : i32
    %dma_wait3A_77 = tpu.memref_slice %arg5[%dma_wait3A_70, %dma_wait3A_75, %dma_wait3A_76] : memref<4096x200x128xf32, #tpu.memory_space<hbm>> -> memref<1x200x64xf32, #tpu.memory_space<hbm>>
    %dma_wait3A_78 = tpu.memref_squeeze %dma_wait3A_77 : memref<1x200x64xf32, #tpu.memory_space<hbm>> -> memref<200x64xf32, #tpu.memory_space<hbm>>
    tpu.wait_dma2 semaphore(%arg13 : memref<!tpu.dma_semaphore, #tpu.memory_space<semaphore_mem>>) src(%arg9 : memref<200x64xf32, #tpu.memory_space<vmem>>) dst(%dma_wait3A_78 : memref<200x64xf32, #tpu.memory_space<hbm>>)
    %dma_wait3A_79 = arith.constant 3 : i32
    %dma_wait3A_80 = arith.constant 0 : i32
    %dma_wait3A_81 = arith.constant 0 : i32
    %dma_wait3A_82 = tpu.memref_slice %arg5[%dma_wait3A_79, %dma_wait3A_80, %dma_wait3A_81] : memref<4096x200x128xf32, #tpu.memory_space<hbm>> -> memref<1x200x64xf32, #tpu.memory_space<hbm>>
    %dma_wait3A_83 = tpu.memref_squeeze %dma_wait3A_82 : memref<1x200x64xf32, #tpu.memory_space<hbm>> -> memref<200x64xf32, #tpu.memory_space<hbm>>
    %dma_wait3A_84 = arith.constant 0 : i32
    %dma_wait3A_85 = arith.constant 0 : i32
    %dma_wait3A_86 = tpu.memref_slice %arg5[%dma_wait3A_79, %dma_wait3A_84, %dma_wait3A_85] : memref<4096x200x128xf32, #tpu.memory_space<hbm>> -> memref<1x200x64xf32, #tpu.memory_space<hbm>>
    %dma_wait3A_87 = tpu.memref_squeeze %dma_wait3A_86 : memref<1x200x64xf32, #tpu.memory_space<hbm>> -> memref<200x64xf32, #tpu.memory_space<hbm>>
    tpu.wait_dma2 semaphore(%arg13 : memref<!tpu.dma_semaphore, #tpu.memory_space<semaphore_mem>>) src(%arg10 : memref<200x64xf32, #tpu.memory_space<vmem>>) dst(%dma_wait3A_87 : memref<200x64xf32, #tpu.memory_space<hbm>>)
    return
  }
}

</mosaic_0001>

<sc_bundles>
// kernel: kernel.3.cloned.1.call-start
scs
__scs_entry_jumppad:
0x0: {  	(pc) =	sbr.rel $0x88, $3  }
0x1: {  	(tag) =	ssettag $0x0;
	lr =	simm.s32 $0x1  }
0x2: {  	[smem:$0x3F9F] =	sst lr;
	_ =	strace $0xD0000000  }
0x3: {  	_ = 	snop  }
0x4: {  	_ = 	snop  }
0x5: {  	_ = 	snop  }
0x6: {  	_ = 	snop  }
0x7: {  	_ = 	snop  }
__scs_overlays_trampoline_lowered:
0x8: {  	[smem:$0x3FAE] =	sst s0  }
0x9: {  	[smem:$0x3FAF] =	sst s1  }
0xa: {  	[smem:$0x3FB0] =	sst s2  }
0xb: {  	[smem:$0x3FB1] =	sst s3  }
0xc: {  	[smem:$0x3FB2] =	sst s4  }
0xd: {  	[smem:$0x3FB3] =	sst s5  }
0xe: {  	[smem:$0x3FB4] =	sst s6  }
0xf: {  	[smem:$0x3FB5] =	sst s7  }
0x10: {  	[smem:$0x3FB6] =	sst s8  }
0x11: {  	[smem:$0x3FB7] =	sst s9;
	s0 =	simm.s32 @!p0 $0x0  }
0x12: {  	s1 =	sld [smem:$0x3F9D];
	s0 =	simm.s32 @p0 $0x1  }
0x13: {  	[smem:$0x3FB8] =	sst s0;
	s0 =	simm.s32 @!p1 $0x0  }
0x14: {  	s2 =	sld [smem:$0x3F9C];
	s0 =	simm.s32 @p1 $0x1  }
0x15: {  	[smem:$0x3FB9] =	sst s0;
	s0 =	simm.s32 @!p2 $0x0  }
0x16: {  	s3 =	sld [smem:$0x3FDB];
	s0 =	simm.s32 @p2 $0x1  }
0x17: {  	s4 =	simm.s32 $0x1BF5;
	[smem:$0x3FBB] =	sst s0  }
0x18: {  	s0 =	sld [smem:$0x3F9E];
	_ =	swait.ge [sflag:s4], $0x0  }
0x19: {  	s7 =	sld [smem:$0x3F9F]  }
0x1a: {  	s8 =	sadd.s32 $0xFFFFE003, lr  }
0x1b: {  	s9 =	sadd.s32 $0xFFFFFEF7, lr;
	s5 =	simm.s32 $0xFFFFFFFF;
	p2 =	slt.u32 s8, $0xFFFFF086  }
0x1c: {  	p1 =	slt.u32 s9, $0xF7A;
	s5 =	simm.s32 @!p2 $0x0  }
0x1d: {  	s5 =	simm.s32 @p1 $0x1;
	p0 =	seq.s32 s7, s2  }
0x1e: {  	s7 =	smul.u32 @!p0 $0xF7A, s2;
	p2 =	seq.s32 @!p0 s5, $0x0  }
0x1f: {  	s9 =	smul.u32 $0xF7A, s1;
	s8 =	simm.s32 @!p0 $0x1BF5;
	p2 =	por !p2, p0  }
0x20: {  	[sflag:s8] =	ssyncset.s32 @!p0 $0xFFFFF086;
	s6 =	sadd.s32 @!p0 s3, s7;
	s7 =	simm.s32 @!p0 $0x108  }
0x21: {  	s3 =	sadd.s32 s3, s9;
	s6 =	sadd.s32 @!p0 $0x88, s6;
	s7 =	simm.s32 @p2 $0x1082  }
0x22: {  	[simem:s7], [sflag:s8] =	dma.local @!p0 [hbm:s6], $0xF7A  }
0x23: {  	s9 =	sor.u32 $0xD0000000, s2;
	s6 =	simm.s32 $0x108;
	_ =	swait.ge @!p0 [sflag:s8], $0x0  }
0x24: {  	s3 =	sadd.s32 $0x88, s3;
	s6 =	simm.s32 @!p1 $0x1082;
	[sflag:s4] =	ssyncset.s32 $0xFFFFF086  }
0x25: {  	[simem:s6], [sflag:s4] =	dma.local [hbm:s3], $0xF7A  }
0x26: {  	[smem:$0x3F9F] =	sst s1;
	(tag) =	ssettag s2;
	_ =	strace s9  }
0x27: {  	s1 =	sld [smem:$0x3FAF]  }
0x28: {  	s2 =	sld [smem:$0x3FB0]  }
0x29: {  	s4 =	sld [smem:$0x3FB2]  }
0x2a: {  	p0 =	seq.s32 s5, $0x0;
	s5 =	sld [smem:$0x3FB3]  }
0x2b: {  	s6 =	sld [smem:$0x3FB4]  }
0x2c: {  	s7 =	sld [smem:$0x3FB5]  }
0x2d: {  	s3 =	simm.s32 $0x108;
	s8 =	sld [smem:$0x3FB6]  }
0x2e: {  	s3 =	simm.s32 @!p0 $0x1082;
	s9 =	sld [smem:$0x3FB7]  }
0x2f: {  	lr =	sadd.s32 s0, s3;
	s0 =	sld [smem:$0x3FAE]  }
0x30: {  	s3 =	sld [smem:$0x3FB1]  }
0x31: {  	[smem:$0x3FBA] =	sst s10  }
0x32: {  	s10 =	sld [smem:$0x3FB8];
	_ =	sdelay $0x3  }
0x33: {  	p0 =	seq.s32 s10, $0x1;
	s10 =	sld [smem:$0x3FBA];
	_ =	sdelay $0x3  }
0x34: {  	[smem:$0x3FBA] =	sst s10  }
0x35: {  	s10 =	sld [smem:$0x3FB9];
	_ =	sdelay $0x3  }
0x36: {  	p1 =	seq.s32 s10, $0x1;
	s10 =	sld [smem:$0x3FBA];
	_ =	sdelay $0x3  }
0x37: {  	[smem:$0x3FBA] =	sst s10  }
0x38: {  	s10 =	sld [smem:$0x3FBB]  }
0x39: {  	_ = 	snop;
	(pc) =	sbr.ind lr, $3  }
0x3a: {  	_ = 	snop  }
0x3b: {  	_ = 	snop  }
0x3c: {  	p2 =	seq.s32 s10, $0x1;
	s10 =	sld [smem:$0x3FBA]  }
0x3d: {  	_ =	shalt  }
0x3e: {  	_ =	shalt  }
0x3f: {  	_ =	shalt  }
0x40: {  	_ =	shalt  }
0x41: {  	_ =	shalt  }
0x42: {  	_ =	shalt  }
0x43: {  	_ =	shalt  }
0x44: {  	_ =	shalt  }
0x45: {  	_ =	shalt  }
0x46: {  	_ =	shalt  }
0x47: {  	_ =	shalt  }
0x48: {  	_ =	shalt  }
0x49: {  	_ =	shalt  }
0x4a: {  	_ =	shalt  }
0x4b: {  	_ =	shalt  }
0x4c: {  	_ =	shalt  }
0x4d: {  	_ =	shalt  }
0x4e: {  	_ =	shalt  }
0x4f: {  	_ =	shalt  }
0x50: {  	_ =	shalt  }
0x51: {  	_ =	shalt  }
0x52: {  	_ =	shalt  }
0x53: {  	_ =	shalt  }
0x54: {  	_ =	shalt  }
0x55: {  	_ =	shalt  }
0x56: {  	_ =	shalt  }
0x57: {  	_ =	shalt  }
0x58: {  	_ =	shalt  }
0x59: {  	_ =	shalt  }
0x5a: {  	_ =	shalt  }
0x5b: {  	_ =	shalt  }
0x5c: {  	_ =	shalt  }
0x5d: {  	_ =	shalt  }
0x5e: {  	_ =	shalt  }
0x5f: {  	_ =	shalt  }
0x60: {  	_ =	shalt  }
0x61: {  	_ =	shalt  }
0x62: {  	_ =	shalt  }
0x63: {  	_ =	shalt  }
0x64: {  	_ =	shalt  }
0x65: {  	_ =	shalt  }
0x66: {  	_ =	shalt  }
0x67: {  	_ =	shalt  }
0x68: {  	_ =	shalt  }
0x69: {  	_ =	shalt  }
0x6a: {  	_ =	shalt  }
0x6b: {  	_ =	shalt  }
0x6c: {  	_ =	shalt  }
0x6d: {  	_ =	shalt  }
0x6e: {  	_ =	shalt  }
0x6f: {  	_ =	shalt  }
0x70: {  	_ =	shalt  }
0x71: {  	_ =	shalt  }
0x72: {  	_ =	shalt  }
0x73: {  	_ =	shalt  }
0x74: {  	_ =	shalt  }
0x75: {  	_ =	shalt  }
0x76: {  	_ =	shalt  }
0x77: {  	_ =	shalt  }
0x78: {  	_ =	shalt  }
0x79: {  	_ =	shalt  }
0x7a: {  	_ =	shalt  }
0x7b: {  	_ =	shalt  }
0x7c: {  	_ =	shalt  }
0x7d: {  	_ =	shalt  }
0x7e: {  	_ =	shalt  }
0x7f: {  	_ =	shalt  }
0x80: {  	_ =	shalt  }
0x81: {  	_ =	shalt  }
0x82: {  	_ =	shalt  }
0x83: {  	_ =	shalt  }
0x84: {  	_ =	shalt  }
0x85: {  	_ =	shalt  }
0x86: {  	_ =	shalt  }
0x87: {  	_ =	shalt  }
.Lfunc_end0:
.L_simem_size_0:
called_computation.1_lowered:
.L_overlay_start_0:
0x88: {  	s2 =	sld [smem:$0x3FD9]  }
0x89: {  	s3 =	sld [smem:$0x3FFE];
	_ =	sdelay $0x1  }
0x8a: {  	s1 =	srdreg.scid  }
0x8b: {  	s0 =	sand.u32 $0x1, s1  }
0x8c: {  	s16 =	sshll.u32 s0, $0xA;
	s2 =	sadd.s32 s3, s2  }
0x8d: {  	s2 =	sadd.s32 s2, s16  }
0x8e: {  	[smem:$0x3FC6] =	sst s2  }
0x8f: {  	_ = 	snop  }
0x90: {  	(tm) =	ssettm $0x1  }
0x91: {  	s17 =	sld [smem:$0x3FFB];
	_ =	sdelay $0x3  }
0x92: {  	_ =	strace s17  }
0x93: {  	s2 =	sld [smem:$0x3FFC];
	_ =	sdelay $0x3  }
0x94: {  	_ =	strace s2  }
0x95: {  	s2 =	sld [smem:$0x3FFD];
	_ =	sdelay $0x3  }
0x96: {  	_ =	strace s2  }
0x97: {  	_ =	strace $0x8FFFFFFF  }
0x98: {  	s18 =	sld [smem:$0x3FDB];
	_ =	sdelay $0x1  }
0x99: {  	s19 =	simm.s32 $_scs_section_size  }
0x9a: {  	s4 =	simm.s32 $_size__tile_overlayer_lowered;
	s5 =	simm.s32 $_tile_overlayer_lowered  }
0x9b: {  	s22 =	simm.s32 $0x1BFF;
	s21 =	sshll.u32 s5, $0x1;
	s2 =	sadd.s32 s19, s18  }
0x9c: {  	s6 =	simm.s32 $0x0;
	s20 =	sshll.u32 s4, $0x1;
	s4 =	sadd.s32 s21, s2  }
0x9d: {  	[timem:s6], [sflag:s22] =	dma.local [hbm:s4], s20  }
0x9e: {  	_ =	swait.ge [sflag:s22], s20  }
0x9f: {  	s3 =	ssub.s32 $0x0, s20;
	[sflag:s22] =	ssyncset.done $0x0  }
0xa0: {  	[sflag:s22] =	ssyncadd.s32 s3;
	_ =	sdelay $0x1  }
0xa1: {  	s23 =	simm.s32 $0x1B8B  }
0xa2: {  	_ =	swait.ge [sflag:s23], $0x1  }
0xa3: {  	[sflag:s23] =	ssyncset.done $0x0  }
0xa4: {  	s25 =	simm.s32 $0x1B8E;
	s24 =	sld [smem:$0x3FFE];
	[sflag:s23] =	ssyncadd.s32 $0xFFFFFFFF  }
0xa5: {  	s26 =	simm.s32 $execute0_lowered;
	[smem:$0x3FD2] =	sst s25  }
0xa6: {  	s4 =	sshll.u32 s26, $0x1;
	_ =	strace $0x80000046;
	[dreg:$0x1] =	wrdreg $0xFFFFFFFF  }
0xa7: {  	s28 =	simm.s32 $_size_execute0_lowered;
	s2 =	sadd.s32 s2, s4;
	[dreg:$0x0] =	wrdreg $0x0  }
0xa8: {  	s4 =	sshll.u32 s28, $0x1;
	[dreg:$0x2] =	wrdreg s2  }
0xa9: {  	[dreg:$0x3] =	wrdreg s4  }
0xaa: {  	[dreg:$0x4] =	wrdreg $0xC0  }
0xab: {  	_ =	task [dreg:s6], $0x5FFFF  }
0xac: {  	[dreg:$0x1] =	wrdreg $0xFFFFFFFF  }
0xad: {  	[dreg:$0x0] =	wrdreg $0x60  }
0xae: {  	[dreg:$0x2] =	wrdreg s24  }
0xaf: {  	[dreg:$0x3] =	wrdreg $0x9  }
0xb0: {  	_ =	task.clear_ibuf [dreg:s6], $0x4FFFF;
	_ =	strace $0x90000046  }
0xb1: {  	s29 =	simm.s32 $0x9;
	_ =	strace $0x80000048  }
0xb2: {  	_ =	swait.ge [sflag:s29], $0x1  }
0xb3: {  	[sflag:s29] =	ssyncadd.s32 $0xFFFFFFFF  }
0xb4: {  	_ =	strace $0x90000048  }
0xb5: {  	_ =	sfence  }
0xb6: {  	s30 =	sld [smem:$0x0];
	_ =	sdelay $0x2  }
0xb7: {  	s31 =	sshll.u32 s1, $0xD;
	s1 =	sshrl.u32 s1, $0x2  }
0xb8: {  	s3 =	sand.u32 $0x4000, s31;
	s1 =	sadd.s32 s1, s30  }
0xb9: {  	s0 =	sor.u32 s3, s0;
	s1 =	sshll.u32 s1, $0x11  }
0xba: {  	s0 =	sor.u32 s1, s0  }
0xbb: {  	s0 =	sadd.s32 $0x8F2B, s0  }
0xbc: {  	[sflag:s0] =	ssyncadd.remote.s32 $0x1  }
0xbd: {  	_ =	sfence.sel $0xFFFF  }
0xbe: {  	[dreg:$0x0] =	wrdreg $0xFFFFFFFF;
	(pc) =	sbr.abs _section_cstart, $3  }
0xbf: {  	[dreg:$0x1] =	wrdreg $0xFFFFFFFF  }
0xc0: {  	_ =	task.clear_ibuf [dreg:s6], $0x2FFFF;
	_ =	strace $0x9FFFFFFF  }
0xc1: {  	(tm) =	ssettm $0x7FFFFFFF  }
tec
execute0_lowered:
.L_overlay_start_1:
0x0: {  	(tag) =	ssettag $0x1  }
0x1: {  	s0 =	rddreg [dreg:$0x0];
	s1 =	srdreg.scid;
	s3 =	simm.s32 $0x0  }
0x2: {  	s2 =	stileid.u32;
	s14 =	simm.s32 $0x3;
	s15 =	simm.s32 $0x40  }
0x3: {  	s16 =	simm.s32 $0x80;
	s17 =	simm.s32 $0x320;
	s18 =	simm.s32 $0x3520  }
0x4: {  	s19 =	simm.s32 $0x6720;
	s20 =	simm.s32 $0x9920;
	s21 =	simm.s32 $0x2  }
0x5: {  	s22 =	simm.s32 $0x68;
	s28 =	simm.s32 $0x4F20;
	s29 =	simm.s32 $0x190  }
0x6: {  	s30 =	simm.s32 $0x1F8;
	s31 =	simm.s32 $0x8120;
	s1 =	sand.u32 $0x1, s1  }
0x7: {  	[smem:$0x7FF] =	sst s3;
	s2 =	sshll.u32 s2, $0x8;
	s4 =	sadd.s32 $0x1200, s0  }
0x8: {  	s5 =	sadd.s32 $0x1A200, s0;
	s23 =	sshll.u32 s1, $0x7;
	s1 =	ssub.s32 $0x2, s1  }
0x9: {  	s6 =	sadd.s32 $0xDD800, s0;
	s3 =	sor.u32 s23, s2;
	s7 =	sshrl.u32 s1, $0x1  }
0xa: {  	s0 =	sadd.s32 $0xA00, s0;
	s2 =	smul.u32 $0xC80, s3;
	s24 =	ssub.s32 s1, s7  }
0xb: {  	_ =	strace $0x80000047;
	[dreg:$0x2] =	wrdreg s0;
	s0 =	smax.u32 s24, $0x1  }
0xc: {  	s13 =	simm.s32 $0x1;
	s25 =	sadd.s32 s6, s2;
	[dreg:$0x7] =	wrdreg s0  }
0xd: {  	s23 =	simm.s32 $0x60;
	s2 =	sadd.s32 $0xC80, s25;
	[dreg:$0x3] =	wrdreg s25  }
0xe: {  	s7 =	simm.s32 $0x0;
	s26 =	sadd.s32 $0x1900, s25;
	[dreg:$0x4] =	wrdreg s2  }
0xf: {  	s24 =	simm.s32 $0x1D20;
	s1 =	sadd.s32 $0x2580, s25;
	[dreg:$0x5] =	wrdreg s26  }
0x10: {  	s0 =	simm.s32 $0x258;
	s25 =	simm.s32 $0xC8;
	[dreg:$0x6] =	wrdreg s1  }
0x11: {  	s26 =	simm.s32 $0x130;
	s1 =	simm.s32 $0x2C0;
	s2 =	simm.s32 $0xB320  }
.LBB2_1:
0x12: {  	s8 =	simm.s32 $0x0;
	s9 =	rddreg [dreg:$0x2];
	s10 =	simm.s32 $0xCB20  }
0x13: {  	[tilespmem:s10], [sflag:$0x3] =	stream.linear.gather [hbm4b:s9+s8], $0x3200, $0x38;
	[tilespmem:$0xFD20] =	vst v63  }
0x14: {  	_ =	swait.ge [sflag:s14], $0x3200  }
0x15: {  	[sflag:s14] =	ssyncset.done $0x0  }
0x16: {  	s9 =	rddreg [dreg:$0x3];
	[sflag:s14] =	ssyncadd.s32 $0xFFFFCE00  }
0x17: {  	[hbm4b:s9+s15] =	stream.strided.scatter [tilespmem:s17], [sflag:$0x2], $0x3200, s16, s15, $0x38;
	[tilespmem:$0xFD20] =	vst v63  }
0x18: {  	s10 =	rddreg [dreg:$0x4]  }
0x19: {  	[hbm4b:s10+s15] =	stream.strided.scatter [tilespmem:s18], [sflag:$0x2], $0x3200, s16, s15, $0x38;
	[tilespmem:$0xFD20] =	vst v63  }
0x1a: {  	s11 =	rddreg [dreg:$0x5]  }
0x1b: {  	[hbm4b:s11+s15] =	stream.strided.scatter [tilespmem:s19], [sflag:$0x2], $0x3200, s16, s15, $0x38;
	[tilespmem:$0xFD20] =	vst v63  }
0x1c: {  	s12 =	rddreg [dreg:$0x6];
	s9 =	simm.s32 $0x0  }
0x1d: {  	[hbm4b:s12+s15] =	stream.strided.scatter [tilespmem:s20], [sflag:$0x2], $0x3200, s16, s15, $0x38;
	[tilespmem:$0xFD20] =	vst v63  }
.LBB2_2:
0x1e: {  	_ =	swait.ge [sflag:s21], $0x3200  }
0x1f: {  	[sflag:s21] =	ssyncset.done $0x0  }
0x20: {  	[sflag:s21] =	ssyncadd.s32 $0xFFFFCE00  }
0x21: {  	_ =	swait.ge [sflag:s21], $0x3200  }
0x22: {  	[sflag:s21] =	ssyncset.done $0x0  }
0x23: {  	[sflag:s21] =	ssyncadd.s32 $0xFFFFCE00  }
0x24: {  	_ =	swait.ge [sflag:s21], $0x3200  }
0x25: {  	s10 =	sshll.u32 s9, $0x2;
	[sflag:s21] =	ssyncset.done $0x0  }
0x26: {  	s10 =	sadd.s32 s3, s10;
	[sflag:s21] =	ssyncadd.s32 $0xFFFFCE00  }
0x27: {  	s11 =	smul.u32 $0x19, s10;
	_ =	swait.ge [sflag:s21], $0x3200  }
0x28: {  	[sflag:s21] =	ssyncset.done $0x0  }
0x29: {  	s12 =	simm.s32 $0x0;
	s11 =	sadd.s32 s4, s11;
	[sflag:s21] =	ssyncadd.s32 $0xFFFFCE00  }
0x2a: {  	[tilespmem:s12], [sflag:$0x3] =	stream.linear.gather [hbm4b:s11+s12], $0x320, $0x38;
	[tilespmem:$0xFD20] =	vst v63  }
0x2b: {  	_ =	swait.ge [sflag:s14], $0x320  }
0x2c: {  	[sflag:s14] =	ssyncset.done $0x0  }
0x2d: {  	[sflag:s14] =	ssyncadd.s32 $0xFFFFFCE0  }
0x2e: {  	[tilespmem:s17], [sflag:$0x1] =	stream.indirect.gather [hbm4b:s5+s22], $0x40, s12, s22, $0xb8;
	[tilespmem:$0xFD20] =	vst v63  }
0x2f: {  	_ = 	snop  }
0x30: {  	[tilespmem:s24], [sflag:$0x1] =	stream.indirect.gather [hbm4b:s5+s23], $0x40, s22, s23, $0xb8;
	[tilespmem:$0xFD20] =	vst v63  }
0x31: {  	_ = 	snop  }
0x32: {  	[tilespmem:s18], [sflag:$0x1] =	stream.indirect.gather [hbm4b:s5+s22], $0x40, s25, s22, $0xb8;
	[tilespmem:$0xFD20] =	vst v63  }
0x33: {  	_ = 	snop  }
0x34: {  	[tilespmem:s28], [sflag:$0x1] =	stream.indirect.gather [hbm4b:s5+s23], $0x40, s26, s23, $0xb8;
	[tilespmem:$0xFD20] =	vst v63  }
0x35: {  	_ = 	snop  }
0x36: {  	[tilespmem:s19], [sflag:$0x1] =	stream.indirect.gather [hbm4b:s5+s22], $0x40, s29, s22, $0xb8;
	[tilespmem:$0xFD20] =	vst v63  }
0x37: {  	_ = 	snop  }
0x38: {  	[tilespmem:s31], [sflag:$0x1] =	stream.indirect.gather [hbm4b:s5+s23], $0x40, s30, s23, $0xb8;
	[tilespmem:$0xFD20] =	vst v63  }
0x39: {  	_ = 	snop  }
0x3a: {  	[tilespmem:s20], [sflag:$0x1] =	stream.indirect.gather [hbm4b:s5+s22], $0x40, s0, s22, $0xb8;
	[tilespmem:$0xFD20] =	vst v63  }
0x3b: {  	_ = 	snop  }
0x3c: {  	[tilespmem:s2], [sflag:$0x1] =	stream.indirect.gather [hbm4b:s5+s23], $0x40, s1, s23, $0xb8;
	[tilespmem:$0xFD20] =	vst v63  }
0x3d: {  	_ =	swait.ge [sflag:s13], $0x1A00  }
0x3e: {  	[sflag:s13] =	ssyncset.done $0x0  }
0x3f: {  	[sflag:s13] =	ssyncadd.s32 $0xFFFFE600  }
0x40: {  	_ =	swait.ge [sflag:s13], $0x1800  }
0x41: {  	[sflag:s13] =	ssyncset.done $0x0  }
0x42: {  	s11 =	simm.s32 $0x0;
	[sflag:s13] =	ssyncadd.s32 $0xFFFFE800  }
0x43: {  	v5 =	vld [tilespmem:s11+$0xCB20]  }
0x44: {  	v6 =	vld [tilespmem:s11+$0xCB30]  }
0x45: {  	v1 =	vld [tilespmem:s11+$0xCB40]  }
0x46: {  	v0 =	vld [tilespmem:s11+$0xCB50]  }
0x47: {  	v2 =	vld [tilespmem:s11+$0x320]  }
0x48: {  	v4 =	vld [tilespmem:s11+$0x330]  }
0x49: {  	s12 =	simm.s32 $0x100;
	v3 =	vld [tilespmem:s11+$0x340]  }
.LBB2_3:
0x4a: {  	s8 =	sshra.s32 s12, $0x2;
	p0 =	sne.s32 s12, $0xC700;
	v7 =	vld [tilespmem:s11+$0x350];
	v8 =	vmov v1  }
0x4b: {  	v9 =	vld [tilespmem:s8+$0xCB20];
	v10 =	vmov v0  }
0x4c: {  	v11 =	vld [tilespmem:s8+$0xCB30];
	v2 =	vadd.f32 v5, v2  }
.Ltmp0:
0x4d: {  	v1 =	vld [tilespmem:s8+$0xCB40];
	v4 =	vadd.f32 v6, v4;
	(pc) =	sbr.rel @p0 .LBB2_3-.Ltmp0, $4  }
0x4e: {  	v0 =	vld [tilespmem:s8+$0xCB50];
	[tilespmem:s11+$0x320] =	vst v2;
	v3 =	vadd.f32 v8, v3  }
0x4f: {  	v2 =	vld [tilespmem:s8+$0x320];
	[tilespmem:s11+$0x330] =	vst v4;
	v7 =	vadd.f32 v10, v7  }
0x50: {  	v4 =	vld [tilespmem:s8+$0x330];
	[tilespmem:s11+$0x340] =	vst v3;
	v5 =	vmov v9  }
0x51: {  	s12 =	sadd.s32 $0x100, s12;
	v3 =	vld [tilespmem:s8+$0x340];
	[tilespmem:s11+$0x350] =	vst v7;
	v6 =	vmov v11;
	s11 =	smov.u32 s8  }
0x52: {  	v7 =	vld [tilespmem:s11+$0x350];
	_ =	sdelay $0x1  }
0x53: {  	v2 =	vadd.f32 v5, v2  }
0x54: {  	v4 =	vadd.f32 v6, v4  }
0x55: {  	[tilespmem:s11+$0x320] =	vst v2;
	v1 =	vadd.f32 v1, v3  }
0x56: {  	s8 =	smul.u32 $0xC80, s10;
	[tilespmem:s11+$0x330] =	vst v4;
	v0 =	vadd.f32 v0, v7  }
0x57: {  	[tilespmem:s11+$0x340] =	vst v1  }
0x58: {  	s8 =	sadd.s32 s6, s8;
	[tilespmem:s11+$0x350] =	vst v0  }
0x59: {  	[hbm4b:s8+s15] =	stream.strided.scatter [tilespmem:s17], [sflag:$0x2], $0x3200, s16, s15, $0x38;
	[tilespmem:$0xFD20] =	vst v63  }
0x5a: {  	_ =	swait.ge [sflag:s13], $0x1A00  }
0x5b: {  	[sflag:s13] =	ssyncset.done $0x0  }
0x5c: {  	[sflag:s13] =	ssyncadd.s32 $0xFFFFE600  }
0x5d: {  	_ =	swait.ge [sflag:s13], $0x1800  }
0x5e: {  	[sflag:s13] =	ssyncset.done $0x0  }
0x5f: {  	s11 =	simm.s32 $0x0;
	[sflag:s13] =	ssyncadd.s32 $0xFFFFE800  }
0x60: {  	v5 =	vld [tilespmem:s11+$0xCB20]  }
0x61: {  	v6 =	vld [tilespmem:s11+$0xCB30]  }
0x62: {  	v1 =	vld [tilespmem:s11+$0xCB40]  }
0x63: {  	v0 =	vld [tilespmem:s11+$0xCB50]  }
0x64: {  	v3 =	vld [tilespmem:s11+$0x3520]  }
0x65: {  	v4 =	vld [tilespmem:s11+$0x3530]  }
0x66: {  	s12 =	simm.s32 $0x100;
	v2 =	vld [tilespmem:s11+$0x3540]  }
.LBB2_5:
0x67: {  	s8 =	sshra.s32 s12, $0x2;
	p0 =	sne.s32 s12, $0xC700;
	v7 =	vld [tilespmem:s11+$0x3550];
	v8 =	vmov v1  }
0x68: {  	v9 =	vld [tilespmem:s8+$0xCB20];
	v10 =	vmov v0  }
0x69: {  	v11 =	vld [tilespmem:s8+$0xCB30];
	v3 =	vadd.f32 v5, v3  }
.Ltmp1:
0x6a: {  	v1 =	vld [tilespmem:s8+$0xCB40];
	v4 =	vadd.f32 v6, v4;
	(pc) =	sbr.rel @p0 .LBB2_5-.Ltmp1, $4  }
0x6b: {  	v0 =	vld [tilespmem:s8+$0xCB50];
	[tilespmem:s11+$0x3520] =	vst v3;
	v2 =	vadd.f32 v8, v2  }
0x6c: {  	v3 =	vld [tilespmem:s8+$0x3520];
	[tilespmem:s11+$0x3530] =	vst v4;
	v7 =	vadd.f32 v10, v7  }
0x6d: {  	v4 =	vld [tilespmem:s8+$0x3530];
	[tilespmem:s11+$0x3540] =	vst v2;
	v5 =	vmov v9  }
0x6e: {  	s12 =	sadd.s32 $0x100, s12;
	v2 =	vld [tilespmem:s8+$0x3540];
	[tilespmem:s11+$0x3550] =	vst v7;
	v6 =	vmov v11;
	s11 =	smov.u32 s8  }
0x6f: {  	v7 =	vld [tilespmem:s11+$0x3550];
	_ =	sdelay $0x1  }
0x70: {  	v3 =	vadd.f32 v5, v3  }
0x71: {  	s8 =	smul.u32 $0x6400, s10;
	v4 =	vadd.f32 v6, v4  }
0x72: {  	[tilespmem:s11+$0x3520] =	vst v3;
	v1 =	vadd.f32 v1, v2  }
0x73: {  	s8 =	sshrl.u32 s8, $0x3;
	[tilespmem:s11+$0x3530] =	vst v4;
	v0 =	vadd.f32 v0, v7  }
0x74: {  	s10 =	sadd.s32 s6, s8;
	[tilespmem:s11+$0x3540] =	vst v1  }
0x75: {  	s8 =	sadd.s32 $0xC80, s10;
	[tilespmem:s11+$0x3550] =	vst v0  }
0x76: {  	[hbm4b:s8+s15] =	stream.strided.scatter [tilespmem:s18], [sflag:$0x2], $0x3200, s16, s15, $0x38;
	[tilespmem:$0xFD20] =	vst v63  }
0x77: {  	_ =	swait.ge [sflag:s13], $0x1A00  }
0x78: {  	[sflag:s13] =	ssyncset.done $0x0  }
0x79: {  	[sflag:s13] =	ssyncadd.s32 $0xFFFFE600  }
0x7a: {  	_ =	swait.ge [sflag:s13], $0x1800  }
0x7b: {  	[sflag:s13] =	ssyncset.done $0x0  }
0x7c: {  	s11 =	simm.s32 $0x0;
	[sflag:s13] =	ssyncadd.s32 $0xFFFFE800  }
0x7d: {  	v5 =	vld [tilespmem:s11+$0xCB20]  }
0x7e: {  	v6 =	vld [tilespmem:s11+$0xCB30]  }
0x7f: {  	v1 =	vld [tilespmem:s11+$0xCB40]  }
0x80: {  	v0 =	vld [tilespmem:s11+$0xCB50]  }
0x81: {  	v2 =	vld [tilespmem:s11+$0x6720]  }
0x82: {  	v4 =	vld [tilespmem:s11+$0x6730]  }
0x83: {  	s12 =	simm.s32 $0x100;
	v3 =	vld [tilespmem:s11+$0x6740]  }
.LBB2_7:
0x84: {  	s8 =	sshra.s32 s12, $0x2;
	p0 =	sne.s32 s12, $0xC700;
	v7 =	vld [tilespmem:s11+$0x6750];
	v8 =	vmov v1  }
0x85: {  	v9 =	vld [tilespmem:s8+$0xCB20];
	v10 =	vmov v0  }
0x86: {  	v11 =	vld [tilespmem:s8+$0xCB30];
	v2 =	vadd.f32 v5, v2  }
.Ltmp2:
0x87: {  	v1 =	vld [tilespmem:s8+$0xCB40];
	v4 =	vadd.f32 v6, v4;
	(pc) =	sbr.rel @p0 .LBB2_7-.Ltmp2, $4  }
0x88: {  	v0 =	vld [tilespmem:s8+$0xCB50];
	[tilespmem:s11+$0x6720] =	vst v2;
	v3 =	vadd.f32 v8, v3  }
0x89: {  	v2 =	vld [tilespmem:s8+$0x6720];
	[tilespmem:s11+$0x6730] =	vst v4;
	v7 =	vadd.f32 v10, v7  }
0x8a: {  	v4 =	vld [tilespmem:s8+$0x6730];
	[tilespmem:s11+$0x6740] =	vst v3;
	v5 =	vmov v9  }
0x8b: {  	s12 =	sadd.s32 $0x100, s12;
	v3 =	vld [tilespmem:s8+$0x6740];
	[tilespmem:s11+$0x6750] =	vst v7;
	v6 =	vmov v11;
	s11 =	smov.u32 s8  }
0x8c: {  	v7 =	vld [tilespmem:s11+$0x6750];
	_ =	sdelay $0x1  }
0x8d: {  	v2 =	vadd.f32 v5, v2  }
0x8e: {  	v4 =	vadd.f32 v6, v4  }
0x8f: {  	[tilespmem:s11+$0x6720] =	vst v2;
	v1 =	vadd.f32 v1, v3  }
0x90: {  	[tilespmem:s11+$0x6730] =	vst v4;
	v0 =	vadd.f32 v0, v7  }
0x91: {  	[tilespmem:s11+$0x6740] =	vst v1  }
0x92: {  	s8 =	sadd.s32 $0x1900, s10;
	[tilespmem:s11+$0x6750] =	vst v0  }
0x93: {  	[hbm4b:s8+s15] =	stream.strided.scatter [tilespmem:s19], [sflag:$0x2], $0x3200, s16, s15, $0x38;
	[tilespmem:$0xFD20] =	vst v63  }
0x94: {  	_ =	swait.ge [sflag:s13], $0x1A00  }
0x95: {  	[sflag:s13] =	ssyncset.done $0x0  }
0x96: {  	[sflag:s13] =	ssyncadd.s32 $0xFFFFE600  }
0x97: {  	_ =	swait.ge [sflag:s13], $0x1800  }
0x98: {  	[sflag:s13] =	ssyncset.done $0x0  }
0x99: {  	s11 =	simm.s32 $0x0;
	[sflag:s13] =	ssyncadd.s32 $0xFFFFE800  }
0x9a: {  	v5 =	vld [tilespmem:s11+$0xCB20]  }
0x9b: {  	v6 =	vld [tilespmem:s11+$0xCB30]  }
0x9c: {  	v1 =	vld [tilespmem:s11+$0xCB40]  }
0x9d: {  	v0 =	vld [tilespmem:s11+$0xCB50]  }
0x9e: {  	v2 =	vld [tilespmem:s11+$0x9920]  }
0x9f: {  	v4 =	vld [tilespmem:s11+$0x9930]  }
0xa0: {  	s12 =	simm.s32 $0x100;
	v3 =	vld [tilespmem:s11+$0x9940]  }
.LBB2_9:
0xa1: {  	s8 =	sshra.s32 s12, $0x2;
	p0 =	sne.s32 s12, $0xC700;
	v7 =	vld [tilespmem:s11+$0x9950];
	v8 =	vmov v1  }
0xa2: {  	v9 =	vld [tilespmem:s8+$0xCB20];
	v10 =	vmov v0  }
0xa3: {  	v11 =	vld [tilespmem:s8+$0xCB30];
	v2 =	vadd.f32 v5, v2  }
.Ltmp3:
0xa4: {  	v1 =	vld [tilespmem:s8+$0xCB40];
	v4 =	vadd.f32 v6, v4;
	(pc) =	sbr.rel @p0 .LBB2_9-.Ltmp3, $4  }
0xa5: {  	v0 =	vld [tilespmem:s8+$0xCB50];
	[tilespmem:s11+$0x9920] =	vst v2;
	v3 =	vadd.f32 v8, v3  }
0xa6: {  	v2 =	vld [tilespmem:s8+$0x9920];
	[tilespmem:s11+$0x9930] =	vst v4;
	v7 =	vadd.f32 v10, v7  }
0xa7: {  	v4 =	vld [tilespmem:s8+$0x9930];
	[tilespmem:s11+$0x9940] =	vst v3;
	v5 =	vmov v9  }
0xa8: {  	s12 =	sadd.s32 $0x100, s12;
	v3 =	vld [tilespmem:s8+$0x9940];
	[tilespmem:s11+$0x9950] =	vst v7;
	v6 =	vmov v11;
	s11 =	smov.u32 s8  }
0xa9: {  	v7 =	vld [tilespmem:s11+$0x9950];
	_ =	sdelay $0x1  }
0xaa: {  	s9 =	sadd.s32 $0x1, s9;
	v2 =	vadd.f32 v5, v2  }
0xab: {  	p0 =	sne.s32 s9, $0x20;
	v4 =	vadd.f32 v6, v4  }
.Ltmp4:
0xac: {  	[tilespmem:s11+$0x9920] =	vst v2;
	v1 =	vadd.f32 v1, v3;
	(pc) =	sbr.rel @p0 .LBB2_2-.Ltmp4, $4  }
0xad: {  	[tilespmem:s11+$0x9930] =	vst v4;
	v0 =	vadd.f32 v0, v7  }
0xae: {  	[tilespmem:s11+$0x9940] =	vst v1  }
0xaf: {  	s8 =	sadd.s32 $0x2580, s10;
	[tilespmem:s11+$0x9950] =	vst v0  }
0xb0: {  	[hbm4b:s8+s15] =	stream.strided.scatter [tilespmem:s20], [sflag:$0x2], $0x3200, s16, s15, $0x38;
	[tilespmem:$0xFD20] =	vst v63  }
0xb1: {  	_ =	swait.ge [sflag:s21], $0x3200  }
0xb2: {  	[sflag:s21] =	ssyncset.done $0x0  }
0xb3: {  	[sflag:s21] =	ssyncadd.s32 $0xFFFFCE00  }
0xb4: {  	_ =	swait.ge [sflag:s21], $0x3200  }
0xb5: {  	[sflag:s21] =	ssyncset.done $0x0  }
0xb6: {  	[sflag:s21] =	ssyncadd.s32 $0xFFFFCE00  }
0xb7: {  	_ =	swait.ge [sflag:s21], $0x3200  }
0xb8: {  	[sflag:s21] =	ssyncset.done $0x0  }
0xb9: {  	[sflag:s21] =	ssyncadd.s32 $0xFFFFCE00  }
0xba: {  	_ =	swait.ge [sflag:s21], $0x3200  }
0xbb: {  	s7 =	sadd.s32 $0x1, s7;
	s8 =	rddreg [dreg:$0x7]  }
0xbc: {  	p0 =	sne.s32 s7, s8  }
.Ltmp5:
0xbd: {  	_ = 	snop;
	(pc) =	sbr.rel @p0 .LBB2_1-.Ltmp5, $3  }
0xbe: {  	_ =	sdelay $0x1  }
0xbf: {  	[sflag:s21] =	ssyncset.done $0x0  }
0xc0: {  	[sflag:s21] =	ssyncadd.s32 $0xFFFFCE00  }
0xc1: {  	_ =	sfence.sel $0x180000  }
0xc2: {  	[bflag:$0x0] =	sbarrier.arrive $0xFFFF  }
0xc3: {  	_ =	strace $0x90000047  }
0xc4: {  	s0 =	stileid.u32;
	[bflag:$0x2] =	sbarrier.arrive $0xFFFF  }
0xc5: {  	p0 =	sne.s32 s0, $0x0;
	s0 =	rddreg [dreg:$0x1]  }
0xc6: {  	s0 =	sadd.s32 @!p0 $0x100000, s0  }
0xc7: {  	[sflag:s0] =	ssyncadd.tile.s32 @!p0 $0x1;
	_ =	shalt  }
.Lfunc_end2:
_tile_overlayer_lowered:
.L_overlay_start_2:
0xc8: {  	(tag) =	ssettag $0x2  }
0xc9: {  	s0 =	rddreg [dreg:$0x0];
	s2 =	stileid.u32  }
0xca: {  	s1 =	rddreg [dreg:$0x1];
	p0 =	sne.s32 s2, $0x0  }
0xcb: {  	s3 =	rddreg [dreg:$0x2];
	[bflag:$0x3] =	sbarrier.arrive $0xFFFF;
	s2 =	simm.s32 @!p0 $0x1C03  }
0xcc: {  	[timem:s3], [sflag:s2] =	dma.local @!p0 [hbm:s0], s1  }
0xcd: {  	s0 =	simm.s32 @!p0 $0x3  }
0xce: {  	_ =	swait.ge @!p0 [sflag:s0], s1  }
0xcf: {  	s1 =	ssub.s32 @!p0 $0x0, s1;
	[sflag:s0] =	ssyncset.done @!p0 $0x0  }
0xd0: {  	[sflag:s0] =	ssyncadd.s32 @!p0 s1  }
0xd1: {  	[bflag:$0x3] =	sbarrier.arrive $0xFFFF  }
0xd2: {  	_ =	shalt  }

// kernel: sparse-core-data-format-call.cloned.1.call-start
scs
called_computation_lowered:
.L_overlay_start_0:
0x0: {  	s2 =	sld [smem:$0x3FD9]  }
0x1: {  	s3 =	sld [smem:$0x3FFE];
	_ =	sdelay $0x1  }
0x2: {  	s1 =	srdreg.scid  }
0x3: {  	s0 =	sand.u32 $0x1, s1  }
0x4: {  	s18 =	sshll.u32 s0, $0xA;
	s2 =	sadd.s32 s3, s2  }
0x5: {  	s2 =	sadd.s32 s2, s18  }
0x6: {  	[smem:$0x3FC6] =	sst s2  }
0x7: {  	_ = 	snop  }
0x8: {  	s2 =	sld [smem:$0x3FD0];
	(tm) =	ssettm $0x1  }
0x9: {  	s19 =	sld [smem:$0x3FFB];
	_ =	sdelay $0x3  }
0xa: {  	_ =	strace s19  }
0xb: {  	s3 =	sld [smem:$0x3FFC];
	_ =	sdelay $0x3  }
0xc: {  	_ =	strace s3  }
0xd: {  	s3 =	sld [smem:$0x3FFD];
	_ =	sdelay $0x3  }
0xe: {  	_ =	strace s3  }
0xf: {  	_ =	strace $0x8FFFFFFF  }
0x10: {  	s20 =	sld [smem:$0x3FDB];
	_ =	sdelay $0x1  }
0x11: {  	s4 =	simm.s32 $_scs_section_size  }
0x12: {  	s5 =	simm.s32 $_size__tile_overlayer_lowered;
	s6 =	simm.s32 $_tile_overlayer_lowered  }
0x13: {  	s23 =	simm.s32 $0x1BFF;
	s22 =	sshll.u32 s6, $0x1;
	s3 =	sadd.s32 s4, s20  }
0x14: {  	s7 =	simm.s32 $0x0;
	s21 =	sshll.u32 s5, $0x1;
	s5 =	sadd.s32 s22, s3  }
0x15: {  	[timem:s7], [sflag:s23] =	dma.local [hbm:s5], s21  }
0x16: {  	_ =	swait.ge [sflag:s23], s21  }
0x17: {  	s4 =	ssub.s32 $0x0, s21;
	[sflag:s23] =	ssyncset.done $0x0  }
0x18: {  	[sflag:s23] =	ssyncadd.s32 s4;
	_ =	sdelay $0x1  }
0x19: {  	s24 =	simm.s32 $0x1B8B  }
0x1a: {  	_ =	swait.ge [sflag:s24], $0x1  }
0x1b: {  	[sflag:s24] =	ssyncset.done $0x0  }
0x1c: {  	s26 =	simm.s32 $0x1B8E;
	s25 =	sld [smem:$0x3FFE];
	[sflag:s24] =	ssyncadd.s32 $0xFFFFFFFF  }
0x1d: {  	s27 =	simm.s32 $execute0_lowered;
	[smem:$0x3FD2] =	sst s26  }
0x1e: {  	s5 =	sshll.u32 s27, $0x1;
	_ =	strace $0x80000049;
	[dreg:$0x1] =	wrdreg $0xFFFFFFFF  }
0x1f: {  	s28 =	simm.s32 $_size_execute0_lowered;
	s3 =	sadd.s32 s3, s5;
	[dreg:$0x0] =	wrdreg $0x0  }
0x20: {  	s5 =	sshll.u32 s28, $0x1;
	[dreg:$0x2] =	wrdreg s3  }
0x21: {  	[dreg:$0x3] =	wrdreg s5  }
0x22: {  	[dreg:$0x4] =	wrdreg $0xC0  }
0x23: {  	_ =	task [dreg:s7], $0x5FFFF  }
0x24: {  	[dreg:$0x1] =	wrdreg $0xFFFFFFFF  }
0x25: {  	[dreg:$0x0] =	wrdreg $0x60  }
0x26: {  	[dreg:$0x2] =	wrdreg s25  }
0x27: {  	[dreg:$0x3] =	wrdreg s2  }
0x28: {  	[dreg:$0x4] =	wrdreg $0x9  }
0x29: {  	_ =	task.clear_ibuf [dreg:s7], $0x5FFFF;
	_ =	strace $0x90000049  }
0x2a: {  	s29 =	simm.s32 $0x9;
	_ =	strace $0x8000004B  }
0x2b: {  	_ =	swait.ge [sflag:s29], $0x1  }
0x2c: {  	[sflag:s29] =	ssyncadd.s32 $0xFFFFFFFF  }
0x2d: {  	_ =	strace $0x9000004B  }
0x2e: {  	_ =	sfence  }
0x2f: {  	s30 =	sld [smem:$0x0];
	_ =	sdelay $0x2  }
0x30: {  	s31 =	sshll.u32 s1, $0xD;
	s1 =	sshrl.u32 s1, $0x2  }
0x31: {  	s3 =	sand.u32 $0x4000, s31;
	s1 =	sadd.s32 s1, s30  }
0x32: {  	s0 =	sor.u32 s3, s0;
	s1 =	sshll.u32 s1, $0x11  }
0x33: {  	s0 =	sor.u32 s1, s0  }
0x34: {  	s0 =	sadd.s32 $0x8F2B, s0  }
0x35: {  	[sflag:s0] =	ssyncadd.remote.s32 $0x1  }
0x36: {  	_ =	sfence.sel $0xFFFF  }
0x37: {  	[dreg:$0x0] =	wrdreg $0xFFFFFFFF;
	(pc) =	sbr.abs _section_cstart, $3  }
0x38: {  	[dreg:$0x1] =	wrdreg $0xFFFFFFFF  }
0x39: {  	_ =	task.clear_ibuf [dreg:s7], $0x2FFFF;
	_ =	strace $0x9FFFFFFF  }
0x3a: {  	(tm) =	ssettm $0x7FFFFFFF  }
0x3b: {  	_ =	shalt  }
tec
execute0_lowered:
.L_overlay_start_1:
0x0: {  	(tag) =	ssettag $0x1  }
0x1: {  	s0 =	srdreg.scid  }
0x2: {  	s1 =	sshll.u32 s0, $0x4  }
0x3: {  	s0 =	stileid.u32;
	s1 =	sand.u32 $0x10, s1  }
0x4: {  	s1 =	sor.u32 s0, s1  }
0x5: {  	s6 =	rddreg [dreg:$0x0];
	s4 =	simm.s32 $0x1;
	s2 =	sshll.u32 s1, $0x7  }
0x6: {  	s7 =	simm.s32 $0x2;
	s12 =	simm.s32 $0x0;
	s1 =	ssub.s32 $0x1000, s2  }
0x7: {  	s8 =	simm.s32 $0x8000;
	s13 =	simm.s32 $0x0;
	s3 =	sand.u32 $0xF80, s1  }
0x8: {  	s9 =	simm.s32 $0x0;
	s5 =	sshrl.u32 s1, $0xC;
	p0 =	sne.s32 s3, $0x0  }
.Ltmp0:
0x9: {  	s1 =	rddreg [dreg:$0x2];
	s4 =	simm.s32 @!p0 $0x0;
	(pc) =	sbr.rel .LBB1_1-.Ltmp0, $4  }
0xa: {  	s11 =	simm.s32 $0x0;
	s3 =	rddreg [dreg:$0x1];
	s5 =	sadd.s32 s4, s5  }
0xb: {  	_ =	strace $0x8000004A;
	s4 =	simm.s32 $0x1;
	s5 =	smul.u32 $0xC8, s5  }
0xc: {  	s6 =	sadd.s32 $0xDD800, s6;
	s10 =	smov.u32 s2;
	[sflag:s4] =	ssyncpa.u1 $0x0  }
0xd: {  	p0 =	por $0x0, $0x0;
	[sflag:s7] =	ssyncpa.u1 $0x0;
	s7 =	sor.u32 $0x1, s5  }
.LBB1_4:
0xe: {  	s16 =	sshll.u32 s13, $0x3;
	s17 =	sand.u32 $0x78, s13  }
0xf: {  	s30 =	sand.u32 $0x7E00, s13;
	s12 =	sshll.u32 s12, $0xF;
	s16 =	sand.u32 $0xC00, s16  }
0x10: {  	[tilespmem:s15+$0x810 ss:$0x81] =	vst.msk $0xffff, v2;
	s31 =	sand.u32 $0x7, s13;
	s16 =	sor.u32 s17, s16;
	s17 =	sadd.s32 s3, s30  }
0x11: {  	[tilespmem:s15+$0x1020 ss:$0x81] =	vst.msk $0xffff, v0;
	s13 =	sshll.u32 s31, $0x12;
	s12 =	sadd.s32 s12, s17;
	s16 =	sshrl.u32 s16, $0x3  }
0x12: {  	[tilespmem:s15+$0x0 ss:$0x81] =	vst.msk $0xffff, v1;
	s13 =	sor.u32 $0x400, s13;
	s12 =	sadd.s32 s16, s12  }
0x13: {  	[hbm4b:s12+s13] =	stream.strided.scatter [tilespmem:s14], [sflag:$0x2], $0x2000, s8, s13, $0x20;
	[tilespmem:$0x8080] =	vst v63  }
.LBB1_5:
0x14: {  	s14 =	sadd.s32 $0x1, s9  }
0x15: {  	s12 =	sadd.s32 $0x1000, s10;
	s16 =	smov.u32 s10;
	p2 =	sgt.s32 s14, $0xC7  }
0x16: {  	s16 =	smov.u32 @p2 s12  }
0x17: {  	s14 =	simm.s32 @p2 $0x0;
	p2 =	sgt.s32 s16, $0xFFF  }
0x18: {  	s16 =	smov.u32 @p2 s2;
	p2 =	sne.s32 s11, s7  }
.Ltmp1:
0x19: {  	p1 =	slt.u32 s11, $0x2;
	(pc) =	sbr.rel @!p2 .LBB1_6-.Ltmp1, $4  }
0x1a: {  	s15 =	simm.s32 @!p1 $0x2  }
0x1b: {  	s13 =	smov.u32 s10;
	p0 =	por !p0, !p0;
	_ =	swait.ge @!p1 [sflag:s15], $0x2000  }
0x1c: {  	s12 =	smov.u32 s9;
	[sflag:s15] =	ssyncset.done @!p1 $0x0;
	s9 =	smov.u32 s14  }
0x1d: {  	s11 =	sadd.s32 $0x1, s11;
	[sflag:s15] =	ssyncadd.s32 @!p1 $0xFFFFE000;
	s10 =	smov.u32 s16  }
.LBB1_1:
0x1e: {  	p1 =	sge.u32 s11, s5  }
0x1f: {  	s14 =	sand.u32 @!p1 $0x1FFFFFF, s9  }
0x20: {  	s15 =	smulhi.u32 @!p1 $0x147AE15, s14;
	_ =	sdelay $0x1  }
0x21: {  	s15 =	smul.u32 @!p1 $0xC8, s15  }
0x22: {  	s16 =	sxor.u32 @!p1 $0xFFFFFFFF, s11;
	s17 =	smul.u32 @!p1 $0xC80, s10  }
0x23: {  	s31 =	sadd.s32 $0xFFFFFFFF, s11;
	s16 =	sshll.u32 @!p1 s16, $0xD;
	s14 =	ssub.s32 @!p1 s14, s15  }
0x24: {  	s15 =	sand.u32 @!p1 $0x2000, s16;
	s16 =	sadd.s32 @!p1 s6, s17;
	s14 =	sshll.u32 @!p1 s14, $0x4  }
0x25: {  	s17 =	simm.s32 @!p1 $0x6400;
	s14 =	sadd.s32 @!p1 s14, s16;
	s16 =	simm.s32 @!p1 $0x40  }
0x26: {  	[tilespmem:s15], [sflag:$0x1] =	stream.strided.gather @!p1 [hbm4b:s14+s16], $0x2000, s17, s16, $0x38;
	[tilespmem:$0x8080] =	vst v63  }
0x27: {  	p1 =	sge.u32 s31, s5  }
.Ltmp2:
0x28: {  	_ = 	snop;
	(pc) =	sbr.rel @p1 .LBB1_5-.Ltmp2, $1  }
0x29: {  	_ =	sdelay $0x3  }
0x2a: {  	s14 =	simm.s32 $0x1  }
0x2b: {  	_ =	swait.ge [sflag:s4], $0x2000;
	s14 =	simm.s32 @!p0 $0x0  }
0x2c: {  	[sflag:s4] =	ssyncset.done $0x0;
	s15 =	sshll.u32 s14, $0xD  }
0x2d: {  	[sflag:s4] =	ssyncadd.s32 $0xFFFFE000;
	s18 =	sor.u32 $0x20, s15  }
0x2e: {  	s14 =	smul.u32 $0x8100, s14;
	v3 =	vld [tilespmem:s18+$0x10]  }
0x2f: {  	s30 =	sand.u32 $0x1, s11;
	v2 =	vld [tilespmem:s18+$0xFFFFFFF0]  }
0x30: {  	s15 =	smul.u32 $0x8100, s30;
	s14 =	sshrl.u32 s14, $0x2;
	v0 =	vld [tilespmem:s18+$0x0]  }
0x31: {  	v1 =	vld [tilespmem:s18+$0xFFFFFFE0];
	s16 =	sor.u32 $0x4000, s14  }
0x32: {  	s31 =	sshrl.u32 s15, $0x2;
	s15 =	sadd.s32 $0x0, s16  }
0x33: {  	s17 =	simm.s32 $0x4;
	s18 =	sadd.s32 $0x40, s18;
	s14 =	sor.u32 $0x4000, s31;
	[tilespmem:s15+$0x1830 ss:$0x81] =	vst.msk $0xffff, v3  }
.LBB1_3:
0x34: {  	v3 =	vld [tilespmem:s18+$0x10];
	p1 =	sne.s32 s17, $0x1FC;
	[tilespmem:s15+$0x810 ss:$0x81] =	vst.msk $0xffff, v2;
	s19 =	smov.u32 s17;
	s17 =	sadd.s32 $0x4, s17  }
.Ltmp3:
0x35: {  	v2 =	vld [tilespmem:s18+$0xFFFFFFF0];
	[tilespmem:s15+$0x1020 ss:$0x81] =	vst.msk $0xffff, v0;
	(pc) =	sbr.rel @p1 .LBB1_3-.Ltmp3, $4  }
0x36: {  	v0 =	vld [tilespmem:s18+$0x0];
	[tilespmem:s15+$0x0 ss:$0x81] =	vst.msk $0xffff, v1  }
0x37: {  	s15 =	sshra.s32 s19, $0x2;
	v1 =	vld [tilespmem:s18+$0xFFFFFFE0]  }
0x38: {  	s15 =	sadd.s32 s15, s16  }
0x39: {  	s18 =	sadd.s32 $0x40, s18;
	[tilespmem:s15+$0x1830 ss:$0x81] =	vst.msk $0xffff, v3  }
.Ltmp4:
0x3a: {  	_ = 	snop;
	(pc) =	sbr.rel .LBB1_4-.Ltmp4, $1  }
0x3b: {  	_ =	sdelay $0x3  }
.LBB1_6:
0x3c: {  	_ =	sfence.sel $0x180000  }
0x3d: {  	s2 =	simm.s32 $0x1;
	[bflag:$0x0] =	sbarrier.arrive $0xFFFF  }
0x3e: {  	s31 =	simm.s32 $0x2;
	[sflag:s2] =	ssyncpa.u1 $0x1  }
0x3f: {  	[sflag:s31] =	ssyncpa.u1 $0x1  }
0x40: {  	p0 =	sne.s32 s0, $0x0;
	_ =	strace $0x9000004A  }
0x41: {  	s0 =	sadd.s32 @!p0 $0x100000, s1;
	[bflag:$0x2] =	sbarrier.arrive $0xFFFF  }
0x42: {  	[sflag:s0] =	ssyncadd.tile.s32 @!p0 $0x1;
	_ =	shalt  }
.Lfunc_end1:
_tile_overlayer_lowered:
.L_overlay_start_2:
0x43: {  	(tag) =	ssettag $0x2  }
0x44: {  	s0 =	rddreg [dreg:$0x0];
	s2 =	stileid.u32  }
0x45: {  	s1 =	rddreg [dreg:$0x1];
	p0 =	sne.s32 s2, $0x0  }
0x46: {  	s3 =	rddreg [dreg:$0x2];
	[bflag:$0x3] =	sbarrier.arrive $0xFFFF;
	s2 =	simm.s32 @!p0 $0x1C01  }
0x47: {  	[timem:s3], [sflag:s2] =	dma.local @!p0 [hbm:s0], s1  }
0x48: {  	s0 =	simm.s32 @!p0 $0x1  }
0x49: {  	_ =	swait.ge @!p0 [sflag:s0], s1  }
0x4a: {  	s1 =	ssub.s32 @!p0 $0x0, s1;
	[sflag:s0] =	ssyncset.done @!p0 $0x0  }
0x4b: {  	[sflag:s0] =	ssyncadd.s32 @!p0 s1  }
0x4c: {  	[bflag:$0x3] =	sbarrier.arrive $0xFFFF  }
0x4d: {  	_ =	shalt  }

</sc_bundles>
